<compile_context>
chip_gen: v7x
topology: tpu7x:2x2x1
jax: 0.10.2.dev20260603
libtpu: 0.0.44.dev20260713+nightly
codegen_flags: <defaults>
</compile_context>

<pallas_src>
import functools
import math

import jax
import jax.numpy as jnp
from jax import lax
from jax.experimental import pallas as pl
from jax.experimental.pallas import tpu as pltpu
from jax.experimental.pallas import tpu_sc as plsc

N_NODES = 10000
D = 128

NC = 2
NS = 16
NW = NC * NS
CHUNK = 64

N_ACC = 10112
ROW_BLK = 1000


NBUF = 3


def _make_sc_segsum(ne_pad, with_deg):
    epw = ne_pad // NW
    n_chunks = epw // CHUNK
    assert n_chunks % NBUF == 0
    slab = N_ACC // NS
    last_rows = N_NODES - (NS - 1) * slab
    dslab = 640
    dlast = N_ACC - (NS - 1) * dslab
    mesh = plsc.VectorSubcoreMesh(core_axis_name="c", subcore_axis_name="s")

    out_type = [jax.ShapeDtypeStruct((NC, N_NODES, D), jnp.float32)]
    scratch = [
        pltpu.VMEM((n_chunks, CHUNK), jnp.int32),
    ] + [pltpu.VMEM((CHUNK,), jnp.int32)] * NBUF + [
        pltpu.VMEM((NBUF, CHUNK, D), jnp.float32),
        pltpu.VMEM_SHARED((N_ACC, D), jnp.float32),
    ] + [pltpu.SemaphoreType.DMA] * (3 * NBUF)
    if with_deg:
        out_type.append(jax.ShapeDtypeStruct((NC, N_ACC), jnp.float32))
        scratch += [
            pltpu.VMEM((CHUNK,), jnp.float32),
            pltpu.VMEM_SHARED((N_ACC,), jnp.float32),
        ]

    @functools.partial(pl.kernel, out_type=out_type, mesh=mesh,
                       scratch_types=scratch)
    def segsum(table_hbm, src_hbm, dst_hbm, zeros_hbm, ones_hbm, zeros1_hbm,
               out_hbm, *rest):
        if with_deg:
            deg_hbm = rest[0]
            rest = rest[1:]
        src_all = rest[0]
        dstb = rest[1:1 + NBUF]
        rows, acc_sh = rest[1 + NBUF:3 + NBUF]
        sems = rest[3 + NBUF:3 + NBUF + 3 * NBUF]
        gsem = sems[0:NBUF]
        ssem = sems[NBUF:2 * NBUF]
        dsem = sems[2 * NBUF:3 * NBUF]
        if with_deg:
            ones_v, dacc_sh = rest[3 + NBUF + 3 * NBUF:]
        c = lax.axis_index("c")
        s = lax.axis_index("s")
        w = c * NS + s
        zb = s * slab
        ld_src = pltpu.async_copy(src_hbm.at[pl.ds(w * n_chunks, n_chunks)],
                                  src_all, gsem[0])
        ld_zero = pltpu.async_copy(zeros_hbm.at[pl.ds(zb, slab)],
                                   acc_sh.at[pl.ds(zb, slab)], ssem[0])
        if with_deg:
            db = s * dslab

            @pl.when(s < NS - 1)
            def _():
                pltpu.sync_copy(zeros1_hbm.at[pl.ds(db, dslab)],
                                dacc_sh.at[pl.ds(db, dslab)])

            @pl.when(s == NS - 1)
            def _():
                dlb = (NS - 1) * dslab
                pltpu.sync_copy(zeros1_hbm.at[pl.ds(dlb, dlast)],
                                dacc_sh.at[pl.ds(dlb, dlast)])

            pltpu.sync_copy(ones_hbm, ones_v)
        ld_src.wait()
        ld_zero.wait()
        plsc.subcore_barrier()
        base0 = w * epw

        def dst_load(chunk, b):
            pltpu.async_copy(dst_hbm.at[pl.ds(base0 + chunk * CHUNK, CHUNK)],
                             dstb[b], dsem[b])

        def dst_wait(chunk, b):
            pltpu.make_async_copy(
                dst_hbm.at[pl.ds(base0 + chunk * CHUNK, CHUNK)],
                dstb[b], dsem[b]).wait()

        def fire_gather(chunk, b):
            pltpu.async_copy(table_hbm.at[src_all.at[chunk]], rows.at[b],
                             gsem[b])

        def wait_gather(chunk, b):
            pltpu.make_async_copy(table_hbm.at[src_all.at[chunk]], rows.at[b],
                                  gsem[b]).wait()

        def do_scatter(b):
            sc = pltpu.async_copy(rows.at[b], acc_sh.at[dstb[b]],
                                  ssem[b], add=True)
            if with_deg:
                dg = pltpu.async_copy(ones_v, dacc_sh.at[dstb[b]],
                                      ssem[b], add=True)
            sc.wait()
            if with_deg:
                dg.wait()

        for b in range(NBUF):
            dst_load(b, b)
            fire_gather(b, b)

        @pl.loop(0, n_chunks - NBUF, step=NBUF)
        def _(i):
            for b in range(NBUF):
                cur = i + b
                wait_gather(cur, b)
                dst_wait(cur, b)
                do_scatter(b)
                dst_load(cur + NBUF, b)
                fire_gather(cur + NBUF, b)

        for b in range(NBUF):
            cur = n_chunks - NBUF + b
            wait_gather(cur, b)
            dst_wait(cur, b)
            do_scatter(b)

        plsc.subcore_barrier()
        ob = s * slab

        @pl.when(s < NS - 1)
        def _():
            pltpu.sync_copy(acc_sh.at[pl.ds(ob, slab)],
                            out_hbm.at[c].at[pl.ds(ob, slab)])

        @pl.when(s == NS - 1)
        def _():
            lb = (NS - 1) * slab
            pltpu.sync_copy(acc_sh.at[pl.ds(lb, last_rows)],
                            out_hbm.at[c].at[pl.ds(lb, last_rows)])

        if with_deg:
            db = s * dslab

            @pl.when(s < NS - 1)
            def _():
                pltpu.sync_copy(dacc_sh.at[pl.ds(db, dslab)],
                                deg_hbm.at[c].at[pl.ds(db, dslab)])

            @pl.when(s == NS - 1)
            def _():
                dlb = (NS - 1) * dslab
                pltpu.sync_copy(dacc_sh.at[pl.ds(dlb, dlast)],
                                deg_hbm.at[c].at[pl.ds(dlb, dlast)])

    return segsum


def _matmul_body(x_ref, w_ref, o_ref):
    o_ref[...] = jnp.dot(x_ref[...], w_ref[...],
                         preferred_element_type=jnp.float32)


def _matmul_bias_body(x_ref, w_ref, b_ref, o_ref):
    o_ref[...] = jnp.dot(x_ref[...], w_ref[...],
                         preferred_element_type=jnp.float32,
                         precision=lax.Precision.HIGHEST) + b_ref[...]


def _tc2_body(p0_ref, p1_ref, d0_ref, d1_ref, xr_ref, g1_ref, be1_ref,
              w2l_ref, hl_ref, h_ref):
    agg = p0_ref[...] + p1_ref[...]
    deg = d0_ref[...] + d1_ref[...]
    scale = 1.0 / jnp.maximum(deg, 1.0)
    pre = agg * scale + xr_ref[...]
    mu = jnp.mean(pre, axis=-1, keepdims=True)
    var = jnp.mean((pre - mu) ** 2, axis=-1, keepdims=True)
    ln = (pre - mu) / jnp.sqrt(var + 1e-5) * g1_ref[...] + be1_ref[...]
    h = jax.nn.gelu(ln)
    h_ref[...] = h
    hl_ref[...] = jnp.dot(h, w2l_ref[...], preferred_element_type=jnp.float32)


def _tc3_body(q0_ref, q1_ref, d0_ref, d1_ref, hr_ref, g2_ref, be2_ref,
              out_ref):
    deg = d0_ref[...] + d1_ref[...]
    scale = 1.0 / jnp.maximum(deg, 1.0)
    pre = (q0_ref[...] + q1_ref[...]) * scale + hr_ref[...]
    mu = jnp.mean(pre, axis=-1, keepdims=True)
    var = jnp.mean((pre - mu) ** 2, axis=-1, keepdims=True)
    out_ref[...] = (pre - mu) / jnp.sqrt(var + 1e-5) * g2_ref[...] + be2_ref[...]


def _row_spec(width):
    return pl.BlockSpec((ROW_BLK, width), lambda i: (i, 0))


def _full_spec(shape):
    return pl.BlockSpec(shape, lambda i: (0, 0))


def kernel(x, W1_l, W1_r, b1, g1, be1, W2_l, W2_r, b2, g2, be2, edge_index):
    n = x.shape[0]
    ne = edge_index.shape[1]
    grid = (n // ROW_BLK,)

    src = edge_index[0].astype(jnp.int32)
    dst = edge_index[1].astype(jnp.int32)
    cgrain = NBUF * 8 // math.gcd(NBUF, 8)
    egrain = NW * CHUNK * cgrain
    ne_pad = ((ne + egrain - 1) // egrain) * egrain
    pad = ne_pad - ne
    pad_ar = jnp.arange(pad, dtype=jnp.int32)
    pad_dst = n + pad_ar % (N_ACC - n)
    pad_src = (pad_ar * 37) % n
    src_p = jnp.concatenate([src, pad_src])
    dst_p = jnp.concatenate([dst, pad_dst])
    src_p = src_p.reshape(ne_pad // CHUNK, CHUNK)

    zeros2d = jnp.zeros((N_ACC, D), jnp.float32)
    zeros1d = jnp.zeros((N_ACC,), jnp.float32)
    ones1d = jnp.ones((CHUNK,), jnp.float32)

    b1_2d = b1.reshape(1, D)
    g1_2d = g1.reshape(1, D)
    be1_2d = be1.reshape(1, D)
    b2_2d = b2.reshape(1, D)
    g2_2d = g2.reshape(1, D)
    be2_2d = be2.reshape(1, D)

    table1 = pl.pallas_call(
        _matmul_body,
        grid=grid,
        in_specs=[_row_spec(D), _full_spec((D, D))],
        out_specs=_row_spec(D),
        out_shape=jax.ShapeDtypeStruct((n, D), jnp.float32),
    )(x, W1_l)
    xr = pl.pallas_call(
        _matmul_bias_body,
        grid=grid,
        in_specs=[_row_spec(D), _full_spec((D, D)), _full_spec((1, D))],
        out_specs=_row_spec(D),
        out_shape=jax.ShapeDtypeStruct((n, D), jnp.float32),
    )(x, W1_r, b1_2d)

    part1, degp = _make_sc_segsum(ne_pad, True)(
        table1, src_p, dst_p, zeros2d, ones1d, zeros1d)
    d0 = degp[0, :n].reshape(n, 1)
    d1 = degp[1, :n].reshape(n, 1)

    table2, h = pl.pallas_call(
        _tc2_body,
        grid=grid,
        in_specs=[_row_spec(D), _row_spec(D), _row_spec(1), _row_spec(1),
                  _row_spec(D), _full_spec((1, D)), _full_spec((1, D)),
                  _full_spec((D, D))],
        out_specs=[_row_spec(D), _row_spec(D)],
        out_shape=[jax.ShapeDtypeStruct((n, D), jnp.float32),
                   jax.ShapeDtypeStruct((n, D), jnp.float32)],
    )(part1[0], part1[1], d0, d1, xr, g1_2d, be1_2d, W2_l)
    hr = pl.pallas_call(
        _matmul_bias_body,
        grid=grid,
        in_specs=[_row_spec(D), _full_spec((D, D)), _full_spec((1, D))],
        out_specs=_row_spec(D),
        out_shape=jax.ShapeDtypeStruct((n, D), jnp.float32),
    )(h, W2_r, b2_2d)

    part2 = _make_sc_segsum(ne_pad, False)(
        table2, src_p, dst_p, zeros2d, ones1d, zeros1d)[0]

    out = pl.pallas_call(
        _tc3_body,
        grid=grid,
        in_specs=[_row_spec(D), _row_spec(D), _row_spec(1), _row_spec(1),
                  _row_spec(D), _full_spec((1, D)), _full_spec((1, D))],
        out_specs=_row_spec(D),
        out_shape=jax.ShapeDtypeStruct((n, D), jnp.float32),
    )(part2[0], part2[1], d0, d1, hr, g2_2d, be2_2d)

    return out

# --- scband reference (transcript-rebuilt; emitter-appended) ---
"""Pipeline reference for scband-circuit-graph-encoder-57655640982006 (READ-ONLY COPY).

The authoritative reference and input builder live on the scoring server;
editing this copy changes nothing except your own understanding.
"""

import jax, jax.numpy as jnp
import numpy as np

D_IN = 128
D_HID = 128
D_OUT = 128
N_NODES = 10000
N_EDGES = 320000


def _sage_conv(x, edge_index, W_l, W_r, b):
    # PyG-style SAGEConv with mean aggregation:
    # out_i = mean_{j in N(i)} x_j @ W_l + x_i @ W_r + b
    src = edge_index[0]
    dst = edge_index[1]
    n = x.shape[0]
    msg = jnp.take(x, src, axis=0)
    agg = jax.ops.segment_sum(msg, dst, num_segments=n)
    deg = jax.ops.segment_sum(jnp.ones((src.shape[0],), dtype=x.dtype), dst, num_segments=n)
    mean = agg / jnp.clip(deg, 1.0, None)[:, None]
    return mean @ W_l + x @ W_r + b


def _layer_norm(h, gamma, beta, eps=1e-5):
    mu = jnp.mean(h, axis=-1, keepdims=True)
    var = jnp.var(h, axis=-1, keepdims=True)
    return (h - mu) / jnp.sqrt(var + eps) * gamma + beta


def setup_inputs(seed: int = 0) -> dict:
    key = jax.random.key(seed)
    ks = [jax.random.fold_in(key, i) for i in range(12)]
    x = jax.random.normal(ks[0], (N_NODES, D_IN), dtype=jnp.float32)
    edge_index = jax.random.randint(ks[1], (2, N_EDGES), 0, N_NODES, dtype=jnp.int64)
    s1 = 1.0 / np.sqrt(D_IN)
    s2 = 1.0 / np.sqrt(D_HID)
    return {
        "x": x,
        "W1_l": jax.random.uniform(ks[2], (D_IN, D_HID), jnp.float32, -s1, s1),
        "W1_r": jax.random.uniform(ks[3], (D_IN, D_HID), jnp.float32, -s1, s1),
        "b1": jax.random.uniform(ks[4], (D_HID,), jnp.float32, -s1, s1),
        "g1": jnp.ones((D_HID,), jnp.float32),
        "be1": jnp.zeros((D_HID,), jnp.float32),
        "W2_l": jax.random.uniform(ks[5], (D_HID, D_OUT), jnp.float32, -s2, s2),
        "W2_r": jax.random.uniform(ks[6], (D_HID, D_OUT), jnp.float32, -s2, s2),
        "b2": jax.random.uniform(ks[7], (D_OUT,), jnp.float32, -s2, s2),
        "g2": jnp.ones((D_OUT,), jnp.float32),
        "be2": jnp.zeros((D_OUT,), jnp.float32),
        "edge_index": edge_index,
    }


def reference(x, W1_l, W1_r, b1, g1, be1, W2_l, W2_r, b2, g2, be2, edge_index):
    h = _sage_conv(x, edge_index, W1_l, W1_r, b1)
    h = jax.nn.gelu(_layer_norm(h, g1, be1))
    # dropout is identity in eval mode
    h = _sage_conv(h, edge_index, W2_l, W2_r, b2)
    h = _layer_norm(h, g2, be2)
    return h

if __name__ == "__main__":
    import jax
    _d = setup_inputs()
    print(jax.jit(kernel)(*tuple(_d.values())))

</pallas_src>

<mosaic_0001>
#map = affine_map<(d0, d1) -> (0, 0)>
#map1 = affine_map<(d0, d1) -> (0)>
#map2 = affine_map<(d0, d1) -> (0, 0, 0)>
module attributes {stable_mosaic.version = 14 : i64} {
  func.func @segsum(%arg0: i32, %arg1: i32, %arg2: memref<10000x128xf32, #tpu.memory_space<hbm>>, %arg3: memref<5376x64xi32, #tpu.memory_space<hbm>>, %arg4: memref<344064xi32, #tpu.memory_space<hbm>>, %arg5: memref<10112x128xf32, #tpu.memory_space<hbm>>, %arg6: memref<64xf32, #tpu.memory_space<hbm>>, %arg7: memref<10112xf32, #tpu.memory_space<hbm>>, %arg8: memref<2x10000x128xf32, #tpu.memory_space<hbm>>, %arg9: memref<2x10112xf32, #tpu.memory_space<hbm>>, %arg10: memref<168x64xi32, #tpu.memory_space<vmem>>, %arg11: memref<64xi32, #tpu.memory_space<vmem>>, %arg12: memref<64xi32, #tpu.memory_space<vmem>>, %arg13: memref<64xi32, #tpu.memory_space<vmem>>, %arg14: memref<3x64x128xf32, #tpu.memory_space<vmem>>, %arg15: memref<10112x128xf32, #tpu.memory_space<vmem_shared>>, %arg16: memref<!tpu.dma_semaphore, #tpu.memory_space<semaphore_mem>>, %arg17: memref<!tpu.dma_semaphore, #tpu.memory_space<semaphore_mem>>, %arg18: memref<!tpu.dma_semaphore, #tpu.memory_space<semaphore_mem>>, %arg19: memref<!tpu.dma_semaphore, #tpu.memory_space<semaphore_mem>>, %arg20: memref<!tpu.dma_semaphore, #tpu.memory_space<semaphore_mem>>, %arg21: memref<!tpu.dma_semaphore, #tpu.memory_space<semaphore_mem>>, %arg22: memref<!tpu.dma_semaphore, #tpu.memory_space<semaphore_mem>>, %arg23: memref<!tpu.dma_semaphore, #tpu.memory_space<semaphore_mem>>, %arg24: memref<!tpu.dma_semaphore, #tpu.memory_space<semaphore_mem>>, %arg25: memref<64xf32, #tpu.memory_space<vmem>>, %arg26: memref<10112xf32, #tpu.memory_space<vmem_shared>>) attributes {dimension_semantics = [#tpu.dimension_semantics<core_parallel>, #tpu.dimension_semantics<subcore_parallel>], iteration_bounds = array<i64: 2, 16>, scalar_prefetch = 0 : i64, scratch_operands = 17 : i64, tpu.core_type = #tpu.core_type<sc_vector_subcore>, window_params = [{transform_indices = #map}, {transform_indices = #map}, {transform_indices = #map1}, {transform_indices = #map}, {transform_indices = #map1}, {transform_indices = #map1}, {transform_indices = #map2}, {transform_indices = #map}]} {
    %mul3A = arith.constant 16 : i32
    %mul3A_0 = arith.muli %arg0, %mul3A : i32
    %add3A = arith.addi %mul3A_0, %arg1 : i32
    %mul3A_1 = arith.constant 632 : i32
    %mul3A_2 = arith.muli %arg1, %mul3A_1 : i32
    %mul3A_3 = arith.constant 168 : i32
    %mul3A_4 = arith.muli %add3A, %mul3A_3 : i32
    %dma_start3A = arith.constant 0 : i32
    %dma_start3A_5 = tpu.memref_slice %arg3[%mul3A_4, %dma_start3A] : memref<5376x64xi32, #tpu.memory_space<hbm>> -> memref<168x64xi32, #tpu.memory_space<hbm>>
    %dma_start3A_6 = arith.constant 0 : i32
    %dma_start3A_7 = tpu.memref_slice %arg3[%mul3A_4, %dma_start3A_6] : memref<5376x64xi32, #tpu.memory_space<hbm>> -> memref<168x64xi32, #tpu.memory_space<hbm>>
    tpu.enqueue_dma source(%dma_start3A_7 : memref<168x64xi32, #tpu.memory_space<hbm>>) target(%arg10 : memref<168x64xi32, #tpu.memory_space<vmem>>) target_semaphore(%arg16 : memref<!tpu.dma_semaphore, #tpu.memory_space<semaphore_mem>>)
    %dma_start3A_8 = arith.constant 0 : i32
    %dma_start3A_9 = tpu.memref_slice %arg15[%mul3A_2, %dma_start3A_8] : memref<10112x128xf32, #tpu.memory_space<vmem_shared>> -> memref<632x128xf32, #tpu.memory_space<vmem_shared>>
    %dma_start3A_10 = arith.constant 0 : i32
    %dma_start3A_11 = tpu.memref_slice %arg5[%mul3A_2, %dma_start3A_10] : memref<10112x128xf32, #tpu.memory_space<hbm>> -> memref<632x128xf32, #tpu.memory_space<hbm>>
    tpu.enqueue_dma source(%dma_start3A_11 : memref<632x128xf32, #tpu.memory_space<hbm>>) target(%dma_start3A_9 : memref<632x128xf32, #tpu.memory_space<vmem_shared>>) target_semaphore(%arg19 : memref<!tpu.dma_semaphore, #tpu.memory_space<semaphore_mem>>)
    %mul3A_12 = arith.constant 640 : i32
    %mul3A_13 = arith.muli %arg1, %mul3A_12 : i32
    %lt3A = arith.constant 15 : i32
    %lt3A_14 = arith.cmpi slt, %arg1, %lt3A : i32
    %convert_element_type3A = arith.extui %lt3A_14 : i1 to i32
    %cond3A = arith.constant 0 : i32
    %cond3A_15 = arith.cmpi ne, %convert_element_type3A, %cond3A : i32
    scf.if %cond3A_15 {
      "tpu.region"() ({
        %run_scoped3A = tpu.sem_alloc : memref<!tpu.dma_semaphore, #tpu.memory_space<semaphore_mem>>
        %dma_start3A_214 = tpu.memref_slice %arg26[%mul3A_13] : memref<10112xf32, #tpu.memory_space<vmem_shared>> -> memref<640xf32, #tpu.memory_space<vmem_shared>>
        %dma_start3A_215 = tpu.memref_slice %arg7[%mul3A_13] : memref<10112xf32, #tpu.memory_space<hbm>> -> memref<640xf32, #tpu.memory_space<hbm>>
        tpu.enqueue_dma source(%dma_start3A_215 : memref<640xf32, #tpu.memory_space<hbm>>) target(%dma_start3A_214 : memref<640xf32, #tpu.memory_space<vmem_shared>>) target_semaphore(%run_scoped3A : memref<!tpu.dma_semaphore, #tpu.memory_space<semaphore_mem>>)
        %dma_wait3A_216 = tpu.memref_slice %arg26[%mul3A_13] : memref<10112xf32, #tpu.memory_space<vmem_shared>> -> memref<640xf32, #tpu.memory_space<vmem_shared>>
        %dma_wait3A_217 = tpu.memref_slice %arg7[%mul3A_13] : memref<10112xf32, #tpu.memory_space<hbm>> -> memref<640xf32, #tpu.memory_space<hbm>>
        tpu.wait_dma2 semaphore(%run_scoped3A : memref<!tpu.dma_semaphore, #tpu.memory_space<semaphore_mem>>) src(%dma_wait3A_217 : memref<640xf32, #tpu.memory_space<hbm>>) dst(%dma_wait3A_216 : memref<640xf32, #tpu.memory_space<vmem_shared>>)
        tpu.yield
      }) : () -> ()
    } else {
    }
    %eq3A = arith.constant 15 : i32
    %eq3A_16 = arith.cmpi eq, %arg1, %eq3A : i32
    %convert_element_type3A_17 = arith.extui %eq3A_16 : i1 to i32
    %cond3A_18 = arith.constant 0 : i32
    %cond3A_19 = arith.cmpi ne, %convert_element_type3A_17, %cond3A_18 : i32
    scf.if %cond3A_19 {
      "tpu.region"() ({
        %run_scoped3A = tpu.sem_alloc : memref<!tpu.dma_semaphore, #tpu.memory_space<semaphore_mem>>
        %dma_start3A_214 = arith.constant 9600 : i32
        %dma_start3A_215 = tpu.memref_slice %arg26[%dma_start3A_214] : memref<10112xf32, #tpu.memory_space<vmem_shared>> -> memref<512xf32, #tpu.memory_space<vmem_shared>>
        %dma_start3A_216 = arith.constant 9600 : i32
        %dma_start3A_217 = tpu.memref_slice %arg7[%dma_start3A_216] : memref<10112xf32, #tpu.memory_space<hbm>> -> memref<512xf32, #tpu.memory_space<hbm>>
        tpu.enqueue_dma source(%dma_start3A_217 : memref<512xf32, #tpu.memory_space<hbm>>) target(%dma_start3A_215 : memref<512xf32, #tpu.memory_space<vmem_shared>>) target_semaphore(%run_scoped3A : memref<!tpu.dma_semaphore, #tpu.memory_space<semaphore_mem>>)
        %dma_wait3A_218 = arith.constant 9600 : i32
        %dma_wait3A_219 = tpu.memref_slice %arg26[%dma_wait3A_218] : memref<10112xf32, #tpu.memory_space<vmem_shared>> -> memref<512xf32, #tpu.memory_space<vmem_shared>>
        %dma_wait3A_220 = arith.constant 9600 : i32
        %dma_wait3A_221 = tpu.memref_slice %arg7[%dma_wait3A_220] : memref<10112xf32, #tpu.memory_space<hbm>> -> memref<512xf32, #tpu.memory_space<hbm>>
        tpu.wait_dma2 semaphore(%run_scoped3A : memref<!tpu.dma_semaphore, #tpu.memory_space<semaphore_mem>>) src(%dma_wait3A_221 : memref<512xf32, #tpu.memory_space<hbm>>) dst(%dma_wait3A_219 : memref<512xf32, #tpu.memory_space<vmem_shared>>)
        tpu.yield
      }) : () -> ()
    } else {
    }
    "tpu.region"() ({
      %run_scoped3A = tpu.sem_alloc : memref<!tpu.dma_semaphore, #tpu.memory_space<semaphore_mem>>
      tpu.enqueue_dma source(%arg6 : memref<64xf32, #tpu.memory_space<hbm>>) target(%arg25 : memref<64xf32, #tpu.memory_space<vmem>>) target_semaphore(%run_scoped3A : memref<!tpu.dma_semaphore, #tpu.memory_space<semaphore_mem>>)
      tpu.wait_dma2 semaphore(%run_scoped3A : memref<!tpu.dma_semaphore, #tpu.memory_space<semaphore_mem>>) src(%arg6 : memref<64xf32, #tpu.memory_space<hbm>>) dst(%arg25 : memref<64xf32, #tpu.memory_space<vmem>>)
      tpu.yield
    }) : () -> ()
    %dma_wait3A = arith.constant 0 : i32
    %dma_wait3A_20 = tpu.memref_slice %arg3[%mul3A_4, %dma_wait3A] : memref<5376x64xi32, #tpu.memory_space<hbm>> -> memref<168x64xi32, #tpu.memory_space<hbm>>
    %dma_wait3A_21 = arith.constant 0 : i32
    %dma_wait3A_22 = tpu.memref_slice %arg3[%mul3A_4, %dma_wait3A_21] : memref<5376x64xi32, #tpu.memory_space<hbm>> -> memref<168x64xi32, #tpu.memory_space<hbm>>
    tpu.wait_dma2 semaphore(%arg16 : memref<!tpu.dma_semaphore, #tpu.memory_space<semaphore_mem>>) src(%dma_wait3A_22 : memref<168x64xi32, #tpu.memory_space<hbm>>) dst(%arg10 : memref<168x64xi32, #tpu.memory_space<vmem>>)
    %dma_wait3A_23 = arith.constant 0 : i32
    %dma_wait3A_24 = tpu.memref_slice %arg15[%mul3A_2, %dma_wait3A_23] : memref<10112x128xf32, #tpu.memory_space<vmem_shared>> -> memref<632x128xf32, #tpu.memory_space<vmem_shared>>
    %dma_wait3A_25 = arith.constant 0 : i32
    %dma_wait3A_26 = tpu.memref_slice %arg5[%mul3A_2, %dma_wait3A_25] : memref<10112x128xf32, #tpu.memory_space<hbm>> -> memref<632x128xf32, #tpu.memory_space<hbm>>
    tpu.wait_dma2 semaphore(%arg19 : memref<!tpu.dma_semaphore, #tpu.memory_space<semaphore_mem>>) src(%dma_wait3A_26 : memref<632x128xf32, #tpu.memory_space<hbm>>) dst(%dma_wait3A_24 : memref<632x128xf32, #tpu.memory_space<vmem_shared>>)
    %barrier3A = arith.constant 0 : index
    tpu.barrier barrier_id(%barrier3A)
    %mul3A_27 = arith.constant 10752 : i32
    %mul3A_28 = arith.muli %add3A, %mul3A_27 : i32
    %add3A_29 = arith.constant 0 : i32
    %add3A_30 = arith.addi %mul3A_28, %add3A_29 : i32
    %dma_start3A_31 = tpu.memref_slice %arg4[%add3A_30] : memref<344064xi32, #tpu.memory_space<hbm>> -> memref<64xi32, #tpu.memory_space<hbm>>
    %dma_start3A_32 = tpu.memref_slice %arg4[%add3A_30] : memref<344064xi32, #tpu.memory_space<hbm>> -> memref<64xi32, #tpu.memory_space<hbm>>
    tpu.enqueue_dma source(%dma_start3A_32 : memref<64xi32, #tpu.memory_space<hbm>>) target(%arg11 : memref<64xi32, #tpu.memory_space<vmem>>) target_semaphore(%arg22 : memref<!tpu.dma_semaphore, #tpu.memory_space<semaphore_mem>>)
    %dma_start3A_33 = arith.constant 0 : i32
    %dma_start3A_34 = arith.constant 0 : i32
    %dma_start3A_35 = arith.constant 0 : i32
    %dma_start3A_36 = arith.constant 0 : i32
    %dma_start3A_37 = tpu.memref_slice %arg14[%dma_start3A_34, %dma_start3A_35, %dma_start3A_36] : memref<3x64x128xf32, #tpu.memory_space<vmem>> -> memref<1x64x128xf32, #tpu.memory_space<vmem>>
    %dma_start3A_38 = tpu.memref_squeeze %dma_start3A_37 : memref<1x64x128xf32, #tpu.memory_space<vmem>> -> memref<64x128xf32, #tpu.memory_space<vmem>>
    %dma_start3A_39 = arith.constant 0 : i32
    %dma_start3A_40 = tpu.memref_slice %arg10[%dma_start3A_33, %dma_start3A_39] : memref<168x64xi32, #tpu.memory_space<vmem>> -> memref<1x64xi32, #tpu.memory_space<vmem>>
    %dma_start3A_41 = tpu.memref_squeeze %dma_start3A_40 : memref<1x64xi32, #tpu.memory_space<vmem>> -> memref<64xi32, #tpu.memory_space<vmem>>
    %dma_start3A_42 = arith.constant 0 : i32
    %dma_start3A_43 = arith.constant 0 : i32
    %dma_start3A_44 = tpu.memref_slice %arg2[%dma_start3A_42, %dma_start3A_43] : memref<10000x128xf32, #tpu.memory_space<hbm>> -> memref<10000x128xf32, #tpu.memory_space<hbm>>
    tpu.enqueue_indirect_dma source(%dma_start3A_44 : memref<10000x128xf32, #tpu.memory_space<hbm>>) target(%dma_start3A_38 : memref<64x128xf32, #tpu.memory_space<vmem>>) offsets(%dma_start3A_41 : memref<64xi32, #tpu.memory_space<vmem>>) semaphore(%arg16 : memref<!tpu.dma_semaphore, #tpu.memory_space<semaphore_mem>>)
    %add3A_45 = arith.constant 64 : i32
    %add3A_46 = arith.addi %mul3A_28, %add3A_45 : i32
    %dma_start3A_47 = tpu.memref_slice %arg4[%add3A_46] : memref<344064xi32, #tpu.memory_space<hbm>> -> memref<64xi32, #tpu.memory_space<hbm>>
    %dma_start3A_48 = tpu.memref_slice %arg4[%add3A_46] : memref<344064xi32, #tpu.memory_space<hbm>> -> memref<64xi32, #tpu.memory_space<hbm>>
    tpu.enqueue_dma source(%dma_start3A_48 : memref<64xi32, #tpu.memory_space<hbm>>) target(%arg12 : memref<64xi32, #tpu.memory_space<vmem>>) target_semaphore(%arg23 : memref<!tpu.dma_semaphore, #tpu.memory_space<semaphore_mem>>)
    %dma_start3A_49 = arith.constant 1 : i32
    %dma_start3A_50 = arith.constant 1 : i32
    %dma_start3A_51 = arith.constant 0 : i32
    %dma_start3A_52 = arith.constant 0 : i32
    %dma_start3A_53 = tpu.memref_slice %arg14[%dma_start3A_50, %dma_start3A_51, %dma_start3A_52] : memref<3x64x128xf32, #tpu.memory_space<vmem>> -> memref<1x64x128xf32, #tpu.memory_space<vmem>>
    %dma_start3A_54 = tpu.memref_squeeze %dma_start3A_53 : memref<1x64x128xf32, #tpu.memory_space<vmem>> -> memref<64x128xf32, #tpu.memory_space<vmem>>
    %dma_start3A_55 = arith.constant 0 : i32
    %dma_start3A_56 = tpu.memref_slice %arg10[%dma_start3A_49, %dma_start3A_55] : memref<168x64xi32, #tpu.memory_space<vmem>> -> memref<1x64xi32, #tpu.memory_space<vmem>>
    %dma_start3A_57 = tpu.memref_squeeze %dma_start3A_56 : memref<1x64xi32, #tpu.memory_space<vmem>> -> memref<64xi32, #tpu.memory_space<vmem>>
    %dma_start3A_58 = arith.constant 0 : i32
    %dma_start3A_59 = arith.constant 0 : i32
    %dma_start3A_60 = tpu.memref_slice %arg2[%dma_start3A_58, %dma_start3A_59] : memref<10000x128xf32, #tpu.memory_space<hbm>> -> memref<10000x128xf32, #tpu.memory_space<hbm>>
    tpu.enqueue_indirect_dma source(%dma_start3A_60 : memref<10000x128xf32, #tpu.memory_space<hbm>>) target(%dma_start3A_54 : memref<64x128xf32, #tpu.memory_space<vmem>>) offsets(%dma_start3A_57 : memref<64xi32, #tpu.memory_space<vmem>>) semaphore(%arg17 : memref<!tpu.dma_semaphore, #tpu.memory_space<semaphore_mem>>)
    %add3A_61 = arith.constant 128 : i32
    %add3A_62 = arith.addi %mul3A_28, %add3A_61 : i32
    %dma_start3A_63 = tpu.memref_slice %arg4[%add3A_62] : memref<344064xi32, #tpu.memory_space<hbm>> -> memref<64xi32, #tpu.memory_space<hbm>>
    %dma_start3A_64 = tpu.memref_slice %arg4[%add3A_62] : memref<344064xi32, #tpu.memory_space<hbm>> -> memref<64xi32, #tpu.memory_space<hbm>>
    tpu.enqueue_dma source(%dma_start3A_64 : memref<64xi32, #tpu.memory_space<hbm>>) target(%arg13 : memref<64xi32, #tpu.memory_space<vmem>>) target_semaphore(%arg24 : memref<!tpu.dma_semaphore, #tpu.memory_space<semaphore_mem>>)
    %dma_start3A_65 = arith.constant 2 : i32
    %dma_start3A_66 = arith.constant 2 : i32
    %dma_start3A_67 = arith.constant 0 : i32
    %dma_start3A_68 = arith.constant 0 : i32
    %dma_start3A_69 = tpu.memref_slice %arg14[%dma_start3A_66, %dma_start3A_67, %dma_start3A_68] : memref<3x64x128xf32, #tpu.memory_space<vmem>> -> memref<1x64x128xf32, #tpu.memory_space<vmem>>
    %dma_start3A_70 = tpu.memref_squeeze %dma_start3A_69 : memref<1x64x128xf32, #tpu.memory_space<vmem>> -> memref<64x128xf32, #tpu.memory_space<vmem>>
    %dma_start3A_71 = arith.constant 0 : i32
    %dma_start3A_72 = tpu.memref_slice %arg10[%dma_start3A_65, %dma_start3A_71] : memref<168x64xi32, #tpu.memory_space<vmem>> -> memref<1x64xi32, #tpu.memory_space<vmem>>
    %dma_start3A_73 = tpu.memref_squeeze %dma_start3A_72 : memref<1x64xi32, #tpu.memory_space<vmem>> -> memref<64xi32, #tpu.memory_space<vmem>>
    %dma_start3A_74 = arith.constant 0 : i32
    %dma_start3A_75 = arith.constant 0 : i32
    %dma_start3A_76 = tpu.memref_slice %arg2[%dma_start3A_74, %dma_start3A_75] : memref<10000x128xf32, #tpu.memory_space<hbm>> -> memref<10000x128xf32, #tpu.memory_space<hbm>>
    tpu.enqueue_indirect_dma source(%dma_start3A_76 : memref<10000x128xf32, #tpu.memory_space<hbm>>) target(%dma_start3A_70 : memref<64x128xf32, #tpu.memory_space<vmem>>) offsets(%dma_start3A_73 : memref<64xi32, #tpu.memory_space<vmem>>) semaphore(%arg18 : memref<!tpu.dma_semaphore, #tpu.memory_space<semaphore_mem>>)
    %scan3A = arith.constant 0 : i32
    %scan3A_77 = arith.constant 55 : i32
    %scan3A_78 = arith.addi %scan3A, %scan3A_77 : i32
    %scan3A_79 = arith.constant 1 : i32
    scf.for %scan3A_214 = %scan3A to %scan3A_78 step %scan3A_79  : i32 {
      %mul3A_215 = arith.constant 3 : i32
      %mul3A_216 = arith.muli %scan3A_214, %mul3A_215 : i32
      %add3A_217 = arith.constant 0 : i32
      %add3A_218 = arith.addi %add3A_217, %mul3A_216 : i32
      %add3A_219 = arith.constant 0 : i32
      %add3A_220 = arith.addi %add3A_218, %add3A_219 : i32
      %dma_wait3A_221 = arith.constant 0 : i32
      %dma_wait3A_222 = arith.constant 0 : i32
      %dma_wait3A_223 = arith.constant 0 : i32
      %dma_wait3A_224 = tpu.memref_slice %arg14[%dma_wait3A_221, %dma_wait3A_222, %dma_wait3A_223] : memref<3x64x128xf32, #tpu.memory_space<vmem>> -> memref<1x64x128xf32, #tpu.memory_space<vmem>>
      %dma_wait3A_225 = tpu.memref_squeeze %dma_wait3A_224 : memref<1x64x128xf32, #tpu.memory_space<vmem>> -> memref<64x128xf32, #tpu.memory_space<vmem>>
      %dma_wait3A_226 = arith.constant 0 : i32
      %dma_wait3A_227 = tpu.memref_slice %arg10[%add3A_220, %dma_wait3A_226] : memref<168x64xi32, #tpu.memory_space<vmem>> -> memref<1x64xi32, #tpu.memory_space<vmem>>
      %dma_wait3A_228 = tpu.memref_squeeze %dma_wait3A_227 : memref<1x64xi32, #tpu.memory_space<vmem>> -> memref<64xi32, #tpu.memory_space<vmem>>
      %dma_wait3A_229 = arith.constant 0 : i32
      %dma_wait3A_230 = arith.constant 0 : i32
      %dma_wait3A_231 = tpu.memref_slice %arg2[%dma_wait3A_229, %dma_wait3A_230] : memref<10000x128xf32, #tpu.memory_space<hbm>> -> memref<10000x128xf32, #tpu.memory_space<hbm>>
      tpu.wait_indirect_dma semaphore(%arg16 : memref<!tpu.dma_semaphore, #tpu.memory_space<semaphore_mem>>) src(%dma_wait3A_231 : memref<10000x128xf32, #tpu.memory_space<hbm>>) dst(%dma_wait3A_225 : memref<64x128xf32, #tpu.memory_space<vmem>>)
      %mul3A_232 = arith.constant 64 : i32
      %mul3A_233 = arith.muli %add3A_220, %mul3A_232 : i32
      %add3A_234 = arith.addi %mul3A_28, %mul3A_233 : i32
      %dma_wait3A_235 = tpu.memref_slice %arg4[%add3A_234] : memref<344064xi32, #tpu.memory_space<hbm>> -> memref<64xi32, #tpu.memory_space<hbm>>
      %dma_wait3A_236 = tpu.memref_slice %arg4[%add3A_234] : memref<344064xi32, #tpu.memory_space<hbm>> -> memref<64xi32, #tpu.memory_space<hbm>>
      tpu.wait_dma2 semaphore(%arg22 : memref<!tpu.dma_semaphore, #tpu.memory_space<semaphore_mem>>) src(%dma_wait3A_236 : memref<64xi32, #tpu.memory_space<hbm>>) dst(%arg11 : memref<64xi32, #tpu.memory_space<vmem>>)
      %dma_start3A_237 = arith.constant 0 : i32
      %dma_start3A_238 = arith.constant 0 : i32
      %dma_start3A_239 = arith.constant 0 : i32
      %dma_start3A_240 = tpu.memref_slice %arg14[%dma_start3A_237, %dma_start3A_238, %dma_start3A_239] : memref<3x64x128xf32, #tpu.memory_space<vmem>> -> memref<1x64x128xf32, #tpu.memory_space<vmem>>
      %dma_start3A_241 = tpu.memref_squeeze %dma_start3A_240 : memref<1x64x128xf32, #tpu.memory_space<vmem>> -> memref<64x128xf32, #tpu.memory_space<vmem>>
      %dma_start3A_242 = arith.constant 0 : i32
      %dma_start3A_243 = arith.constant 0 : i32
      %dma_start3A_244 = tpu.memref_slice %arg15[%dma_start3A_242, %dma_start3A_243] : memref<10112x128xf32, #tpu.memory_space<vmem_shared>> -> memref<10112x128xf32, #tpu.memory_space<vmem_shared>>
      tpu.enqueue_indirect_dma source(%dma_start3A_241 : memref<64x128xf32, #tpu.memory_space<vmem>>) target(%dma_start3A_244 : memref<10112x128xf32, #tpu.memory_space<vmem_shared>>) offsets(%arg11 : memref<64xi32, #tpu.memory_space<vmem>>) semaphore(%arg19 : memref<!tpu.dma_semaphore, #tpu.memory_space<semaphore_mem>>) {add = true}
      %dma_start3A_245 = arith.constant 0 : i32
      %dma_start3A_246 = tpu.memref_slice %arg26[%dma_start3A_245] : memref<10112xf32, #tpu.memory_space<vmem_shared>> -> memref<10112xf32, #tpu.memory_space<vmem_shared>>
      tpu.enqueue_indirect_dma source(%arg25 : memref<64xf32, #tpu.memory_space<vmem>>) target(%dma_start3A_246 : memref<10112xf32, #tpu.memory_space<vmem_shared>>) offsets(%arg11 : memref<64xi32, #tpu.memory_space<vmem>>) semaphore(%arg19 : memref<!tpu.dma_semaphore, #tpu.memory_space<semaphore_mem>>) {add = true}
      %dma_wait3A_247 = arith.constant 0 : i32
      %dma_wait3A_248 = arith.constant 0 : i32
      %dma_wait3A_249 = arith.constant 0 : i32
      %dma_wait3A_250 = tpu.memref_slice %arg14[%dma_wait3A_247, %dma_wait3A_248, %dma_wait3A_249] : memref<3x64x128xf32, #tpu.memory_space<vmem>> -> memref<1x64x128xf32, #tpu.memory_space<vmem>>
      %dma_wait3A_251 = tpu.memref_squeeze %dma_wait3A_250 : memref<1x64x128xf32, #tpu.memory_space<vmem>> -> memref<64x128xf32, #tpu.memory_space<vmem>>
      %dma_wait3A_252 = arith.constant 0 : i32
      %dma_wait3A_253 = arith.constant 0 : i32
      %dma_wait3A_254 = tpu.memref_slice %arg15[%dma_wait3A_252, %dma_wait3A_253] : memref<10112x128xf32, #tpu.memory_space<vmem_shared>> -> memref<10112x128xf32, #tpu.memory_space<vmem_shared>>
      tpu.wait_indirect_dma semaphore(%arg19 : memref<!tpu.dma_semaphore, #tpu.memory_space<semaphore_mem>>) src(%dma_wait3A_251 : memref<64x128xf32, #tpu.memory_space<vmem>>) dst(%dma_wait3A_254 : memref<10112x128xf32, #tpu.memory_space<vmem_shared>>)
      %dma_wait3A_255 = arith.constant 0 : i32
      %dma_wait3A_256 = tpu.memref_slice %arg26[%dma_wait3A_255] : memref<10112xf32, #tpu.memory_space<vmem_shared>> -> memref<10112xf32, #tpu.memory_space<vmem_shared>>
      tpu.wait_indirect_dma semaphore(%arg19 : memref<!tpu.dma_semaphore, #tpu.memory_space<semaphore_mem>>) src(%arg25 : memref<64xf32, #tpu.memory_space<vmem>>) dst(%dma_wait3A_256 : memref<10112xf32, #tpu.memory_space<vmem_shared>>)
      %add3A_257 = arith.constant 3 : i32
      %add3A_258 = arith.addi %add3A_220, %add3A_257 : i32
      %mul3A_259 = arith.constant 64 : i32
      %mul3A_260 = arith.muli %add3A_258, %mul3A_259 : i32
      %add3A_261 = arith.addi %mul3A_28, %mul3A_260 : i32
      %dma_start3A_262 = tpu.memref_slice %arg4[%add3A_261] : memref<344064xi32, #tpu.memory_space<hbm>> -> memref<64xi32, #tpu.memory_space<hbm>>
      %dma_start3A_263 = tpu.memref_slice %arg4[%add3A_261] : memref<344064xi32, #tpu.memory_space<hbm>> -> memref<64xi32, #tpu.memory_space<hbm>>
      tpu.enqueue_dma source(%dma_start3A_263 : memref<64xi32, #tpu.memory_space<hbm>>) target(%arg11 : memref<64xi32, #tpu.memory_space<vmem>>) target_semaphore(%arg22 : memref<!tpu.dma_semaphore, #tpu.memory_space<semaphore_mem>>)
      %add3A_264 = arith.constant 3 : i32
      %add3A_265 = arith.addi %add3A_220, %add3A_264 : i32
      %dma_start3A_266 = arith.constant 0 : i32
      %dma_start3A_267 = arith.constant 0 : i32
      %dma_start3A_268 = arith.constant 0 : i32
      %dma_start3A_269 = tpu.memref_slice %arg14[%dma_start3A_266, %dma_start3A_267, %dma_start3A_268] : memref<3x64x128xf32, #tpu.memory_space<vmem>> -> memref<1x64x128xf32, #tpu.memory_space<vmem>>
      %dma_start3A_270 = tpu.memref_squeeze %dma_start3A_269 : memref<1x64x128xf32, #tpu.memory_space<vmem>> -> memref<64x128xf32, #tpu.memory_space<vmem>>
      %dma_start3A_271 = arith.constant 0 : i32
      %dma_start3A_272 = tpu.memref_slice %arg10[%add3A_265, %dma_start3A_271] : memref<168x64xi32, #tpu.memory_space<vmem>> -> memref<1x64xi32, #tpu.memory_space<vmem>>
      %dma_start3A_273 = tpu.memref_squeeze %dma_start3A_272 : memref<1x64xi32, #tpu.memory_space<vmem>> -> memref<64xi32, #tpu.memory_space<vmem>>
      %dma_start3A_274 = arith.constant 0 : i32
      %dma_start3A_275 = arith.constant 0 : i32
      %dma_start3A_276 = tpu.memref_slice %arg2[%dma_start3A_274, %dma_start3A_275] : memref<10000x128xf32, #tpu.memory_space<hbm>> -> memref<10000x128xf32, #tpu.memory_space<hbm>>
      tpu.enqueue_indirect_dma source(%dma_start3A_276 : memref<10000x128xf32, #tpu.memory_space<hbm>>) target(%dma_start3A_270 : memref<64x128xf32, #tpu.memory_space<vmem>>) offsets(%dma_start3A_273 : memref<64xi32, #tpu.memory_space<vmem>>) semaphore(%arg16 : memref<!tpu.dma_semaphore, #tpu.memory_space<semaphore_mem>>)
      %add3A_277 = arith.constant 1 : i32
      %add3A_278 = arith.addi %add3A_218, %add3A_277 : i32
      %dma_wait3A_279 = arith.constant 1 : i32
      %dma_wait3A_280 = arith.constant 0 : i32
      %dma_wait3A_281 = arith.constant 0 : i32
      %dma_wait3A_282 = tpu.memref_slice %arg14[%dma_wait3A_279, %dma_wait3A_280, %dma_wait3A_281] : memref<3x64x128xf32, #tpu.memory_space<vmem>> -> memref<1x64x128xf32, #tpu.memory_space<vmem>>
      %dma_wait3A_283 = tpu.memref_squeeze %dma_wait3A_282 : memref<1x64x128xf32, #tpu.memory_space<vmem>> -> memref<64x128xf32, #tpu.memory_space<vmem>>
      %dma_wait3A_284 = arith.constant 0 : i32
      %dma_wait3A_285 = tpu.memref_slice %arg10[%add3A_278, %dma_wait3A_284] : memref<168x64xi32, #tpu.memory_space<vmem>> -> memref<1x64xi32, #tpu.memory_space<vmem>>
      %dma_wait3A_286 = tpu.memref_squeeze %dma_wait3A_285 : memref<1x64xi32, #tpu.memory_space<vmem>> -> memref<64xi32, #tpu.memory_space<vmem>>
      %dma_wait3A_287 = arith.constant 0 : i32
      %dma_wait3A_288 = arith.constant 0 : i32
      %dma_wait3A_289 = tpu.memref_slice %arg2[%dma_wait3A_287, %dma_wait3A_288] : memref<10000x128xf32, #tpu.memory_space<hbm>> -> memref<10000x128xf32, #tpu.memory_space<hbm>>
      tpu.wait_indirect_dma semaphore(%arg17 : memref<!tpu.dma_semaphore, #tpu.memory_space<semaphore_mem>>) src(%dma_wait3A_289 : memref<10000x128xf32, #tpu.memory_space<hbm>>) dst(%dma_wait3A_283 : memref<64x128xf32, #tpu.memory_space<vmem>>)
      %mul3A_290 = arith.constant 64 : i32
      %mul3A_291 = arith.muli %add3A_278, %mul3A_290 : i32
      %add3A_292 = arith.addi %mul3A_28, %mul3A_291 : i32
      %dma_wait3A_293 = tpu.memref_slice %arg4[%add3A_292] : memref<344064xi32, #tpu.memory_space<hbm>> -> memref<64xi32, #tpu.memory_space<hbm>>
      %dma_wait3A_294 = tpu.memref_slice %arg4[%add3A_292] : memref<344064xi32, #tpu.memory_space<hbm>> -> memref<64xi32, #tpu.memory_space<hbm>>
      tpu.wait_dma2 semaphore(%arg23 : memref<!tpu.dma_semaphore, #tpu.memory_space<semaphore_mem>>) src(%dma_wait3A_294 : memref<64xi32, #tpu.memory_space<hbm>>) dst(%arg12 : memref<64xi32, #tpu.memory_space<vmem>>)
      %dma_start3A_295 = arith.constant 1 : i32
      %dma_start3A_296 = arith.constant 0 : i32
      %dma_start3A_297 = arith.constant 0 : i32
      %dma_start3A_298 = tpu.memref_slice %arg14[%dma_start3A_295, %dma_start3A_296, %dma_start3A_297] : memref<3x64x128xf32, #tpu.memory_space<vmem>> -> memref<1x64x128xf32, #tpu.memory_space<vmem>>
      %dma_start3A_299 = tpu.memref_squeeze %dma_start3A_298 : memref<1x64x128xf32, #tpu.memory_space<vmem>> -> memref<64x128xf32, #tpu.memory_space<vmem>>
      %dma_start3A_300 = arith.constant 0 : i32
      %dma_start3A_301 = arith.constant 0 : i32
      %dma_start3A_302 = tpu.memref_slice %arg15[%dma_start3A_300, %dma_start3A_301] : memref<10112x128xf32, #tpu.memory_space<vmem_shared>> -> memref<10112x128xf32, #tpu.memory_space<vmem_shared>>
      tpu.enqueue_indirect_dma source(%dma_start3A_299 : memref<64x128xf32, #tpu.memory_space<vmem>>) target(%dma_start3A_302 : memref<10112x128xf32, #tpu.memory_space<vmem_shared>>) offsets(%arg12 : memref<64xi32, #tpu.memory_space<vmem>>) semaphore(%arg20 : memref<!tpu.dma_semaphore, #tpu.memory_space<semaphore_mem>>) {add = true}
      %dma_start3A_303 = arith.constant 0 : i32
      %dma_start3A_304 = tpu.memref_slice %arg26[%dma_start3A_303] : memref<10112xf32, #tpu.memory_space<vmem_shared>> -> memref<10112xf32, #tpu.memory_space<vmem_shared>>
      tpu.enqueue_indirect_dma source(%arg25 : memref<64xf32, #tpu.memory_space<vmem>>) target(%dma_start3A_304 : memref<10112xf32, #tpu.memory_space<vmem_shared>>) offsets(%arg12 : memref<64xi32, #tpu.memory_space<vmem>>) semaphore(%arg20 : memref<!tpu.dma_semaphore, #tpu.memory_space<semaphore_mem>>) {add = true}
      %dma_wait3A_305 = arith.constant 1 : i32
      %dma_wait3A_306 = arith.constant 0 : i32
      %dma_wait3A_307 = arith.constant 0 : i32
      %dma_wait3A_308 = tpu.memref_slice %arg14[%dma_wait3A_305, %dma_wait3A_306, %dma_wait3A_307] : memref<3x64x128xf32, #tpu.memory_space<vmem>> -> memref<1x64x128xf32, #tpu.memory_space<vmem>>
      %dma_wait3A_309 = tpu.memref_squeeze %dma_wait3A_308 : memref<1x64x128xf32, #tpu.memory_space<vmem>> -> memref<64x128xf32, #tpu.memory_space<vmem>>
      %dma_wait3A_310 = arith.constant 0 : i32
      %dma_wait3A_311 = arith.constant 0 : i32
      %dma_wait3A_312 = tpu.memref_slice %arg15[%dma_wait3A_310, %dma_wait3A_311] : memref<10112x128xf32, #tpu.memory_space<vmem_shared>> -> memref<10112x128xf32, #tpu.memory_space<vmem_shared>>
      tpu.wait_indirect_dma semaphore(%arg20 : memref<!tpu.dma_semaphore, #tpu.memory_space<semaphore_mem>>) src(%dma_wait3A_309 : memref<64x128xf32, #tpu.memory_space<vmem>>) dst(%dma_wait3A_312 : memref<10112x128xf32, #tpu.memory_space<vmem_shared>>)
      %dma_wait3A_313 = arith.constant 0 : i32
      %dma_wait3A_314 = tpu.memref_slice %arg26[%dma_wait3A_313] : memref<10112xf32, #tpu.memory_space<vmem_shared>> -> memref<10112xf32, #tpu.memory_space<vmem_shared>>
      tpu.wait_indirect_dma semaphore(%arg20 : memref<!tpu.dma_semaphore, #tpu.memory_space<semaphore_mem>>) src(%arg25 : memref<64xf32, #tpu.memory_space<vmem>>) dst(%dma_wait3A_314 : memref<10112xf32, #tpu.memory_space<vmem_shared>>)
      %add3A_315 = arith.constant 3 : i32
      %add3A_316 = arith.addi %add3A_278, %add3A_315 : i32
      %mul3A_317 = arith.constant 64 : i32
      %mul3A_318 = arith.muli %add3A_316, %mul3A_317 : i32
      %add3A_319 = arith.addi %mul3A_28, %mul3A_318 : i32
      %dma_start3A_320 = tpu.memref_slice %arg4[%add3A_319] : memref<344064xi32, #tpu.memory_space<hbm>> -> memref<64xi32, #tpu.memory_space<hbm>>
      %dma_start3A_321 = tpu.memref_slice %arg4[%add3A_319] : memref<344064xi32, #tpu.memory_space<hbm>> -> memref<64xi32, #tpu.memory_space<hbm>>
      tpu.enqueue_dma source(%dma_start3A_321 : memref<64xi32, #tpu.memory_space<hbm>>) target(%arg12 : memref<64xi32, #tpu.memory_space<vmem>>) target_semaphore(%arg23 : memref<!tpu.dma_semaphore, #tpu.memory_space<semaphore_mem>>)
      %add3A_322 = arith.constant 3 : i32
      %add3A_323 = arith.addi %add3A_278, %add3A_322 : i32
      %dma_start3A_324 = arith.constant 1 : i32
      %dma_start3A_325 = arith.constant 0 : i32
      %dma_start3A_326 = arith.constant 0 : i32
      %dma_start3A_327 = tpu.memref_slice %arg14[%dma_start3A_324, %dma_start3A_325, %dma_start3A_326] : memref<3x64x128xf32, #tpu.memory_space<vmem>> -> memref<1x64x128xf32, #tpu.memory_space<vmem>>
      %dma_start3A_328 = tpu.memref_squeeze %dma_start3A_327 : memref<1x64x128xf32, #tpu.memory_space<vmem>> -> memref<64x128xf32, #tpu.memory_space<vmem>>
      %dma_start3A_329 = arith.constant 0 : i32
      %dma_start3A_330 = tpu.memref_slice %arg10[%add3A_323, %dma_start3A_329] : memref<168x64xi32, #tpu.memory_space<vmem>> -> memref<1x64xi32, #tpu.memory_space<vmem>>
      %dma_start3A_331 = tpu.memref_squeeze %dma_start3A_330 : memref<1x64xi32, #tpu.memory_space<vmem>> -> memref<64xi32, #tpu.memory_space<vmem>>
      %dma_start3A_332 = arith.constant 0 : i32
      %dma_start3A_333 = arith.constant 0 : i32
      %dma_start3A_334 = tpu.memref_slice %arg2[%dma_start3A_332, %dma_start3A_333] : memref<10000x128xf32, #tpu.memory_space<hbm>> -> memref<10000x128xf32, #tpu.memory_space<hbm>>
      tpu.enqueue_indirect_dma source(%dma_start3A_334 : memref<10000x128xf32, #tpu.memory_space<hbm>>) target(%dma_start3A_328 : memref<64x128xf32, #tpu.memory_space<vmem>>) offsets(%dma_start3A_331 : memref<64xi32, #tpu.memory_space<vmem>>) semaphore(%arg17 : memref<!tpu.dma_semaphore, #tpu.memory_space<semaphore_mem>>)
      %add3A_335 = arith.constant 2 : i32
      %add3A_336 = arith.addi %add3A_218, %add3A_335 : i32
      %dma_wait3A_337 = arith.constant 2 : i32
      %dma_wait3A_338 = arith.constant 0 : i32
      %dma_wait3A_339 = arith.constant 0 : i32
      %dma_wait3A_340 = tpu.memref_slice %arg14[%dma_wait3A_337, %dma_wait3A_338, %dma_wait3A_339] : memref<3x64x128xf32, #tpu.memory_space<vmem>> -> memref<1x64x128xf32, #tpu.memory_space<vmem>>
      %dma_wait3A_341 = tpu.memref_squeeze %dma_wait3A_340 : memref<1x64x128xf32, #tpu.memory_space<vmem>> -> memref<64x128xf32, #tpu.memory_space<vmem>>
      %dma_wait3A_342 = arith.constant 0 : i32
      %dma_wait3A_343 = tpu.memref_slice %arg10[%add3A_336, %dma_wait3A_342] : memref<168x64xi32, #tpu.memory_space<vmem>> -> memref<1x64xi32, #tpu.memory_space<vmem>>
      %dma_wait3A_344 = tpu.memref_squeeze %dma_wait3A_343 : memref<1x64xi32, #tpu.memory_space<vmem>> -> memref<64xi32, #tpu.memory_space<vmem>>
      %dma_wait3A_345 = arith.constant 0 : i32
      %dma_wait3A_346 = arith.constant 0 : i32
      %dma_wait3A_347 = tpu.memref_slice %arg2[%dma_wait3A_345, %dma_wait3A_346] : memref<10000x128xf32, #tpu.memory_space<hbm>> -> memref<10000x128xf32, #tpu.memory_space<hbm>>
      tpu.wait_indirect_dma semaphore(%arg18 : memref<!tpu.dma_semaphore, #tpu.memory_space<semaphore_mem>>) src(%dma_wait3A_347 : memref<10000x128xf32, #tpu.memory_space<hbm>>) dst(%dma_wait3A_341 : memref<64x128xf32, #tpu.memory_space<vmem>>)
      %mul3A_348 = arith.constant 64 : i32
      %mul3A_349 = arith.muli %add3A_336, %mul3A_348 : i32
      %add3A_350 = arith.addi %mul3A_28, %mul3A_349 : i32
      %dma_wait3A_351 = tpu.memref_slice %arg4[%add3A_350] : memref<344064xi32, #tpu.memory_space<hbm>> -> memref<64xi32, #tpu.memory_space<hbm>>
      %dma_wait3A_352 = tpu.memref_slice %arg4[%add3A_350] : memref<344064xi32, #tpu.memory_space<hbm>> -> memref<64xi32, #tpu.memory_space<hbm>>
      tpu.wait_dma2 semaphore(%arg24 : memref<!tpu.dma_semaphore, #tpu.memory_space<semaphore_mem>>) src(%dma_wait3A_352 : memref<64xi32, #tpu.memory_space<hbm>>) dst(%arg13 : memref<64xi32, #tpu.memory_space<vmem>>)
      %dma_start3A_353 = arith.constant 2 : i32
      %dma_start3A_354 = arith.constant 0 : i32
      %dma_start3A_355 = arith.constant 0 : i32
      %dma_start3A_356 = tpu.memref_slice %arg14[%dma_start3A_353, %dma_start3A_354, %dma_start3A_355] : memref<3x64x128xf32, #tpu.memory_space<vmem>> -> memref<1x64x128xf32, #tpu.memory_space<vmem>>
      %dma_start3A_357 = tpu.memref_squeeze %dma_start3A_356 : memref<1x64x128xf32, #tpu.memory_space<vmem>> -> memref<64x128xf32, #tpu.memory_space<vmem>>
      %dma_start3A_358 = arith.constant 0 : i32
      %dma_start3A_359 = arith.constant 0 : i32
      %dma_start3A_360 = tpu.memref_slice %arg15[%dma_start3A_358, %dma_start3A_359] : memref<10112x128xf32, #tpu.memory_space<vmem_shared>> -> memref<10112x128xf32, #tpu.memory_space<vmem_shared>>
      tpu.enqueue_indirect_dma source(%dma_start3A_357 : memref<64x128xf32, #tpu.memory_space<vmem>>) target(%dma_start3A_360 : memref<10112x128xf32, #tpu.memory_space<vmem_shared>>) offsets(%arg13 : memref<64xi32, #tpu.memory_space<vmem>>) semaphore(%arg21 : memref<!tpu.dma_semaphore, #tpu.memory_space<semaphore_mem>>) {add = true}
      %dma_start3A_361 = arith.constant 0 : i32
      %dma_start3A_362 = tpu.memref_slice %arg26[%dma_start3A_361] : memref<10112xf32, #tpu.memory_space<vmem_shared>> -> memref<10112xf32, #tpu.memory_space<vmem_shared>>
      tpu.enqueue_indirect_dma source(%arg25 : memref<64xf32, #tpu.memory_space<vmem>>) target(%dma_start3A_362 : memref<10112xf32, #tpu.memory_space<vmem_shared>>) offsets(%arg13 : memref<64xi32, #tpu.memory_space<vmem>>) semaphore(%arg21 : memref<!tpu.dma_semaphore, #tpu.memory_space<semaphore_mem>>) {add = true}
      %dma_wait3A_363 = arith.constant 2 : i32
      %dma_wait3A_364 = arith.constant 0 : i32
      %dma_wait3A_365 = arith.constant 0 : i32
      %dma_wait3A_366 = tpu.memref_slice %arg14[%dma_wait3A_363, %dma_wait3A_364, %dma_wait3A_365] : memref<3x64x128xf32, #tpu.memory_space<vmem>> -> memref<1x64x128xf32, #tpu.memory_space<vmem>>
      %dma_wait3A_367 = tpu.memref_squeeze %dma_wait3A_366 : memref<1x64x128xf32, #tpu.memory_space<vmem>> -> memref<64x128xf32, #tpu.memory_space<vmem>>
      %dma_wait3A_368 = arith.constant 0 : i32
      %dma_wait3A_369 = arith.constant 0 : i32
      %dma_wait3A_370 = tpu.memref_slice %arg15[%dma_wait3A_368, %dma_wait3A_369] : memref<10112x128xf32, #tpu.memory_space<vmem_shared>> -> memref<10112x128xf32, #tpu.memory_space<vmem_shared>>
      tpu.wait_indirect_dma semaphore(%arg21 : memref<!tpu.dma_semaphore, #tpu.memory_space<semaphore_mem>>) src(%dma_wait3A_367 : memref<64x128xf32, #tpu.memory_space<vmem>>) dst(%dma_wait3A_370 : memref<10112x128xf32, #tpu.memory_space<vmem_shared>>)
      %dma_wait3A_371 = arith.constant 0 : i32
      %dma_wait3A_372 = tpu.memref_slice %arg26[%dma_wait3A_371] : memref<10112xf32, #tpu.memory_space<vmem_shared>> -> memref<10112xf32, #tpu.memory_space<vmem_shared>>
      tpu.wait_indirect_dma semaphore(%arg21 : memref<!tpu.dma_semaphore, #tpu.memory_space<semaphore_mem>>) src(%arg25 : memref<64xf32, #tpu.memory_space<vmem>>) dst(%dma_wait3A_372 : memref<10112xf32, #tpu.memory_space<vmem_shared>>)
      %add3A_373 = arith.constant 3 : i32
      %add3A_374 = arith.addi %add3A_336, %add3A_373 : i32
      %mul3A_375 = arith.constant 64 : i32
      %mul3A_376 = arith.muli %add3A_374, %mul3A_375 : i32
      %add3A_377 = arith.addi %mul3A_28, %mul3A_376 : i32
      %dma_start3A_378 = tpu.memref_slice %arg4[%add3A_377] : memref<344064xi32, #tpu.memory_space<hbm>> -> memref<64xi32, #tpu.memory_space<hbm>>
      %dma_start3A_379 = tpu.memref_slice %arg4[%add3A_377] : memref<344064xi32, #tpu.memory_space<hbm>> -> memref<64xi32, #tpu.memory_space<hbm>>
      tpu.enqueue_dma source(%dma_start3A_379 : memref<64xi32, #tpu.memory_space<hbm>>) target(%arg13 : memref<64xi32, #tpu.memory_space<vmem>>) target_semaphore(%arg24 : memref<!tpu.dma_semaphore, #tpu.memory_space<semaphore_mem>>)
      %add3A_380 = arith.constant 3 : i32
      %add3A_381 = arith.addi %add3A_336, %add3A_380 : i32
      %dma_start3A_382 = arith.constant 2 : i32
      %dma_start3A_383 = arith.constant 0 : i32
      %dma_start3A_384 = arith.constant 0 : i32
      %dma_start3A_385 = tpu.memref_slice %arg14[%dma_start3A_382, %dma_start3A_383, %dma_start3A_384] : memref<3x64x128xf32, #tpu.memory_space<vmem>> -> memref<1x64x128xf32, #tpu.memory_space<vmem>>
      %dma_start3A_386 = tpu.memref_squeeze %dma_start3A_385 : memref<1x64x128xf32, #tpu.memory_space<vmem>> -> memref<64x128xf32, #tpu.memory_space<vmem>>
      %dma_start3A_387 = arith.constant 0 : i32
      %dma_start3A_388 = tpu.memref_slice %arg10[%add3A_381, %dma_start3A_387] : memref<168x64xi32, #tpu.memory_space<vmem>> -> memref<1x64xi32, #tpu.memory_space<vmem>>
      %dma_start3A_389 = tpu.memref_squeeze %dma_start3A_388 : memref<1x64xi32, #tpu.memory_space<vmem>> -> memref<64xi32, #tpu.memory_space<vmem>>
      %dma_start3A_390 = arith.constant 0 : i32
      %dma_start3A_391 = arith.constant 0 : i32
      %dma_start3A_392 = tpu.memref_slice %arg2[%dma_start3A_390, %dma_start3A_391] : memref<10000x128xf32, #tpu.memory_space<hbm>> -> memref<10000x128xf32, #tpu.memory_space<hbm>>
      tpu.enqueue_indirect_dma source(%dma_start3A_392 : memref<10000x128xf32, #tpu.memory_space<hbm>>) target(%dma_start3A_386 : memref<64x128xf32, #tpu.memory_space<vmem>>) offsets(%dma_start3A_389 : memref<64xi32, #tpu.memory_space<vmem>>) semaphore(%arg18 : memref<!tpu.dma_semaphore, #tpu.memory_space<semaphore_mem>>)
    }
    %scan3A_80 = arith.constant 55 : i32
    %dma_wait3A_81 = arith.constant 165 : i32
    %dma_wait3A_82 = arith.constant 0 : i32
    %dma_wait3A_83 = arith.constant 0 : i32
    %dma_wait3A_84 = arith.constant 0 : i32
    %dma_wait3A_85 = tpu.memref_slice %arg14[%dma_wait3A_82, %dma_wait3A_83, %dma_wait3A_84] : memref<3x64x128xf32, #tpu.memory_space<vmem>> -> memref<1x64x128xf32, #tpu.memory_space<vmem>>
    %dma_wait3A_86 = tpu.memref_squeeze %dma_wait3A_85 : memref<1x64x128xf32, #tpu.memory_space<vmem>> -> memref<64x128xf32, #tpu.memory_space<vmem>>
    %dma_wait3A_87 = arith.constant 0 : i32
    %dma_wait3A_88 = tpu.memref_slice %arg10[%dma_wait3A_81, %dma_wait3A_87] : memref<168x64xi32, #tpu.memory_space<vmem>> -> memref<1x64xi32, #tpu.memory_space<vmem>>
    %dma_wait3A_89 = tpu.memref_squeeze %dma_wait3A_88 : memref<1x64xi32, #tpu.memory_space<vmem>> -> memref<64xi32, #tpu.memory_space<vmem>>
    %dma_wait3A_90 = arith.constant 0 : i32
    %dma_wait3A_91 = arith.constant 0 : i32
    %dma_wait3A_92 = tpu.memref_slice %arg2[%dma_wait3A_90, %dma_wait3A_91] : memref<10000x128xf32, #tpu.memory_space<hbm>> -> memref<10000x128xf32, #tpu.memory_space<hbm>>
    tpu.wait_indirect_dma semaphore(%arg16 : memref<!tpu.dma_semaphore, #tpu.memory_space<semaphore_mem>>) src(%dma_wait3A_92 : memref<10000x128xf32, #tpu.memory_space<hbm>>) dst(%dma_wait3A_86 : memref<64x128xf32, #tpu.memory_space<vmem>>)
    %add3A_93 = arith.constant 10560 : i32
    %add3A_94 = arith.addi %mul3A_28, %add3A_93 : i32
    %dma_wait3A_95 = tpu.memref_slice %arg4[%add3A_94] : memref<344064xi32, #tpu.memory_space<hbm>> -> memref<64xi32, #tpu.memory_space<hbm>>
    %dma_wait3A_96 = tpu.memref_slice %arg4[%add3A_94] : memref<344064xi32, #tpu.memory_space<hbm>> -> memref<64xi32, #tpu.memory_space<hbm>>
    tpu.wait_dma2 semaphore(%arg22 : memref<!tpu.dma_semaphore, #tpu.memory_space<semaphore_mem>>) src(%dma_wait3A_96 : memref<64xi32, #tpu.memory_space<hbm>>) dst(%arg11 : memref<64xi32, #tpu.memory_space<vmem>>)
    %dma_start3A_97 = arith.constant 0 : i32
    %dma_start3A_98 = arith.constant 0 : i32
    %dma_start3A_99 = arith.constant 0 : i32
    %dma_start3A_100 = tpu.memref_slice %arg14[%dma_start3A_97, %dma_start3A_98, %dma_start3A_99] : memref<3x64x128xf32, #tpu.memory_space<vmem>> -> memref<1x64x128xf32, #tpu.memory_space<vmem>>
    %dma_start3A_101 = tpu.memref_squeeze %dma_start3A_100 : memref<1x64x128xf32, #tpu.memory_space<vmem>> -> memref<64x128xf32, #tpu.memory_space<vmem>>
    %dma_start3A_102 = arith.constant 0 : i32
    %dma_start3A_103 = arith.constant 0 : i32
    %dma_start3A_104 = tpu.memref_slice %arg15[%dma_start3A_102, %dma_start3A_103] : memref<10112x128xf32, #tpu.memory_space<vmem_shared>> -> memref<10112x128xf32, #tpu.memory_space<vmem_shared>>
    tpu.enqueue_indirect_dma source(%dma_start3A_101 : memref<64x128xf32, #tpu.memory_space<vmem>>) target(%dma_start3A_104 : memref<10112x128xf32, #tpu.memory_space<vmem_shared>>) offsets(%arg11 : memref<64xi32, #tpu.memory_space<vmem>>) semaphore(%arg19 : memref<!tpu.dma_semaphore, #tpu.memory_space<semaphore_mem>>) {add = true}
    %dma_start3A_105 = arith.constant 0 : i32
    %dma_start3A_106 = tpu.memref_slice %arg26[%dma_start3A_105] : memref<10112xf32, #tpu.memory_space<vmem_shared>> -> memref<10112xf32, #tpu.memory_space<vmem_shared>>
    tpu.enqueue_indirect_dma source(%arg25 : memref<64xf32, #tpu.memory_space<vmem>>) target(%dma_start3A_106 : memref<10112xf32, #tpu.memory_space<vmem_shared>>) offsets(%arg11 : memref<64xi32, #tpu.memory_space<vmem>>) semaphore(%arg19 : memref<!tpu.dma_semaphore, #tpu.memory_space<semaphore_mem>>) {add = true}
    %dma_wait3A_107 = arith.constant 0 : i32
    %dma_wait3A_108 = arith.constant 0 : i32
    %dma_wait3A_109 = arith.constant 0 : i32
    %dma_wait3A_110 = tpu.memref_slice %arg14[%dma_wait3A_107, %dma_wait3A_108, %dma_wait3A_109] : memref<3x64x128xf32, #tpu.memory_space<vmem>> -> memref<1x64x128xf32, #tpu.memory_space<vmem>>
    %dma_wait3A_111 = tpu.memref_squeeze %dma_wait3A_110 : memref<1x64x128xf32, #tpu.memory_space<vmem>> -> memref<64x128xf32, #tpu.memory_space<vmem>>
    %dma_wait3A_112 = arith.constant 0 : i32
    %dma_wait3A_113 = arith.constant 0 : i32
    %dma_wait3A_114 = tpu.memref_slice %arg15[%dma_wait3A_112, %dma_wait3A_113] : memref<10112x128xf32, #tpu.memory_space<vmem_shared>> -> memref<10112x128xf32, #tpu.memory_space<vmem_shared>>
    tpu.wait_indirect_dma semaphore(%arg19 : memref<!tpu.dma_semaphore, #tpu.memory_space<semaphore_mem>>) src(%dma_wait3A_111 : memref<64x128xf32, #tpu.memory_space<vmem>>) dst(%dma_wait3A_114 : memref<10112x128xf32, #tpu.memory_space<vmem_shared>>)
    %dma_wait3A_115 = arith.constant 0 : i32
    %dma_wait3A_116 = tpu.memref_slice %arg26[%dma_wait3A_115] : memref<10112xf32, #tpu.memory_space<vmem_shared>> -> memref<10112xf32, #tpu.memory_space<vmem_shared>>
    tpu.wait_indirect_dma semaphore(%arg19 : memref<!tpu.dma_semaphore, #tpu.memory_space<semaphore_mem>>) src(%arg25 : memref<64xf32, #tpu.memory_space<vmem>>) dst(%dma_wait3A_116 : memref<10112xf32, #tpu.memory_space<vmem_shared>>)
    %dma_wait3A_117 = arith.constant 166 : i32
    %dma_wait3A_118 = arith.constant 1 : i32
    %dma_wait3A_119 = arith.constant 0 : i32
    %dma_wait3A_120 = arith.constant 0 : i32
    %dma_wait3A_121 = tpu.memref_slice %arg14[%dma_wait3A_118, %dma_wait3A_119, %dma_wait3A_120] : memref<3x64x128xf32, #tpu.memory_space<vmem>> -> memref<1x64x128xf32, #tpu.memory_space<vmem>>
    %dma_wait3A_122 = tpu.memref_squeeze %dma_wait3A_121 : memref<1x64x128xf32, #tpu.memory_space<vmem>> -> memref<64x128xf32, #tpu.memory_space<vmem>>
    %dma_wait3A_123 = arith.constant 0 : i32
    %dma_wait3A_124 = tpu.memref_slice %arg10[%dma_wait3A_117, %dma_wait3A_123] : memref<168x64xi32, #tpu.memory_space<vmem>> -> memref<1x64xi32, #tpu.memory_space<vmem>>
    %dma_wait3A_125 = tpu.memref_squeeze %dma_wait3A_124 : memref<1x64xi32, #tpu.memory_space<vmem>> -> memref<64xi32, #tpu.memory_space<vmem>>
    %dma_wait3A_126 = arith.constant 0 : i32
    %dma_wait3A_127 = arith.constant 0 : i32
    %dma_wait3A_128 = tpu.memref_slice %arg2[%dma_wait3A_126, %dma_wait3A_127] : memref<10000x128xf32, #tpu.memory_space<hbm>> -> memref<10000x128xf32, #tpu.memory_space<hbm>>
    tpu.wait_indirect_dma semaphore(%arg17 : memref<!tpu.dma_semaphore, #tpu.memory_space<semaphore_mem>>) src(%dma_wait3A_128 : memref<10000x128xf32, #tpu.memory_space<hbm>>) dst(%dma_wait3A_122 : memref<64x128xf32, #tpu.memory_space<vmem>>)
    %add3A_129 = arith.constant 10624 : i32
    %add3A_130 = arith.addi %mul3A_28, %add3A_129 : i32
    %dma_wait3A_131 = tpu.memref_slice %arg4[%add3A_130] : memref<344064xi32, #tpu.memory_space<hbm>> -> memref<64xi32, #tpu.memory_space<hbm>>
    %dma_wait3A_132 = tpu.memref_slice %arg4[%add3A_130] : memref<344064xi32, #tpu.memory_space<hbm>> -> memref<64xi32, #tpu.memory_space<hbm>>
    tpu.wait_dma2 semaphore(%arg23 : memref<!tpu.dma_semaphore, #tpu.memory_space<semaphore_mem>>) src(%dma_wait3A_132 : memref<64xi32, #tpu.memory_space<hbm>>) dst(%arg12 : memref<64xi32, #tpu.memory_space<vmem>>)
    %dma_start3A_133 = arith.constant 1 : i32
    %dma_start3A_134 = arith.constant 0 : i32
    %dma_start3A_135 = arith.constant 0 : i32
    %dma_start3A_136 = tpu.memref_slice %arg14[%dma_start3A_133, %dma_start3A_134, %dma_start3A_135] : memref<3x64x128xf32, #tpu.memory_space<vmem>> -> memref<1x64x128xf32, #tpu.memory_space<vmem>>
    %dma_start3A_137 = tpu.memref_squeeze %dma_start3A_136 : memref<1x64x128xf32, #tpu.memory_space<vmem>> -> memref<64x128xf32, #tpu.memory_space<vmem>>
    %dma_start3A_138 = arith.constant 0 : i32
    %dma_start3A_139 = arith.constant 0 : i32
    %dma_start3A_140 = tpu.memref_slice %arg15[%dma_start3A_138, %dma_start3A_139] : memref<10112x128xf32, #tpu.memory_space<vmem_shared>> -> memref<10112x128xf32, #tpu.memory_space<vmem_shared>>
    tpu.enqueue_indirect_dma source(%dma_start3A_137 : memref<64x128xf32, #tpu.memory_space<vmem>>) target(%dma_start3A_140 : memref<10112x128xf32, #tpu.memory_space<vmem_shared>>) offsets(%arg12 : memref<64xi32, #tpu.memory_space<vmem>>) semaphore(%arg20 : memref<!tpu.dma_semaphore, #tpu.memory_space<semaphore_mem>>) {add = true}
    %dma_start3A_141 = arith.constant 0 : i32
    %dma_start3A_142 = tpu.memref_slice %arg26[%dma_start3A_141] : memref<10112xf32, #tpu.memory_space<vmem_shared>> -> memref<10112xf32, #tpu.memory_space<vmem_shared>>
    tpu.enqueue_indirect_dma source(%arg25 : memref<64xf32, #tpu.memory_space<vmem>>) target(%dma_start3A_142 : memref<10112xf32, #tpu.memory_space<vmem_shared>>) offsets(%arg12 : memref<64xi32, #tpu.memory_space<vmem>>) semaphore(%arg20 : memref<!tpu.dma_semaphore, #tpu.memory_space<semaphore_mem>>) {add = true}
    %dma_wait3A_143 = arith.constant 1 : i32
    %dma_wait3A_144 = arith.constant 0 : i32
    %dma_wait3A_145 = arith.constant 0 : i32
    %dma_wait3A_146 = tpu.memref_slice %arg14[%dma_wait3A_143, %dma_wait3A_144, %dma_wait3A_145] : memref<3x64x128xf32, #tpu.memory_space<vmem>> -> memref<1x64x128xf32, #tpu.memory_space<vmem>>
    %dma_wait3A_147 = tpu.memref_squeeze %dma_wait3A_146 : memref<1x64x128xf32, #tpu.memory_space<vmem>> -> memref<64x128xf32, #tpu.memory_space<vmem>>
    %dma_wait3A_148 = arith.constant 0 : i32
    %dma_wait3A_149 = arith.constant 0 : i32
    %dma_wait3A_150 = tpu.memref_slice %arg15[%dma_wait3A_148, %dma_wait3A_149] : memref<10112x128xf32, #tpu.memory_space<vmem_shared>> -> memref<10112x128xf32, #tpu.memory_space<vmem_shared>>
    tpu.wait_indirect_dma semaphore(%arg20 : memref<!tpu.dma_semaphore, #tpu.memory_space<semaphore_mem>>) src(%dma_wait3A_147 : memref<64x128xf32, #tpu.memory_space<vmem>>) dst(%dma_wait3A_150 : memref<10112x128xf32, #tpu.memory_space<vmem_shared>>)
    %dma_wait3A_151 = arith.constant 0 : i32
    %dma_wait3A_152 = tpu.memref_slice %arg26[%dma_wait3A_151] : memref<10112xf32, #tpu.memory_space<vmem_shared>> -> memref<10112xf32, #tpu.memory_space<vmem_shared>>
    tpu.wait_indirect_dma semaphore(%arg20 : memref<!tpu.dma_semaphore, #tpu.memory_space<semaphore_mem>>) src(%arg25 : memref<64xf32, #tpu.memory_space<vmem>>) dst(%dma_wait3A_152 : memref<10112xf32, #tpu.memory_space<vmem_shared>>)
    %dma_wait3A_153 = arith.constant 167 : i32
    %dma_wait3A_154 = arith.constant 2 : i32
    %dma_wait3A_155 = arith.constant 0 : i32
    %dma_wait3A_156 = arith.constant 0 : i32
    %dma_wait3A_157 = tpu.memref_slice %arg14[%dma_wait3A_154, %dma_wait3A_155, %dma_wait3A_156] : memref<3x64x128xf32, #tpu.memory_space<vmem>> -> memref<1x64x128xf32, #tpu.memory_space<vmem>>
    %dma_wait3A_158 = tpu.memref_squeeze %dma_wait3A_157 : memref<1x64x128xf32, #tpu.memory_space<vmem>> -> memref<64x128xf32, #tpu.memory_space<vmem>>
    %dma_wait3A_159 = arith.constant 0 : i32
    %dma_wait3A_160 = tpu.memref_slice %arg10[%dma_wait3A_153, %dma_wait3A_159] : memref<168x64xi32, #tpu.memory_space<vmem>> -> memref<1x64xi32, #tpu.memory_space<vmem>>
    %dma_wait3A_161 = tpu.memref_squeeze %dma_wait3A_160 : memref<1x64xi32, #tpu.memory_space<vmem>> -> memref<64xi32, #tpu.memory_space<vmem>>
    %dma_wait3A_162 = arith.constant 0 : i32
    %dma_wait3A_163 = arith.constant 0 : i32
    %dma_wait3A_164 = tpu.memref_slice %arg2[%dma_wait3A_162, %dma_wait3A_163] : memref<10000x128xf32, #tpu.memory_space<hbm>> -> memref<10000x128xf32, #tpu.memory_space<hbm>>
    tpu.wait_indirect_dma semaphore(%arg18 : memref<!tpu.dma_semaphore, #tpu.memory_space<semaphore_mem>>) src(%dma_wait3A_164 : memref<10000x128xf32, #tpu.memory_space<hbm>>) dst(%dma_wait3A_158 : memref<64x128xf32, #tpu.memory_space<vmem>>)
    %add3A_165 = arith.constant 10688 : i32
    %add3A_166 = arith.addi %mul3A_28, %add3A_165 : i32
    %dma_wait3A_167 = tpu.memref_slice %arg4[%add3A_166] : memref<344064xi32, #tpu.memory_space<hbm>> -> memref<64xi32, #tpu.memory_space<hbm>>
    %dma_wait3A_168 = tpu.memref_slice %arg4[%add3A_166] : memref<344064xi32, #tpu.memory_space<hbm>> -> memref<64xi32, #tpu.memory_space<hbm>>
    tpu.wait_dma2 semaphore(%arg24 : memref<!tpu.dma_semaphore, #tpu.memory_space<semaphore_mem>>) src(%dma_wait3A_168 : memref<64xi32, #tpu.memory_space<hbm>>) dst(%arg13 : memref<64xi32, #tpu.memory_space<vmem>>)
    %dma_start3A_169 = arith.constant 2 : i32
    %dma_start3A_170 = arith.constant 0 : i32
    %dma_start3A_171 = arith.constant 0 : i32
    %dma_start3A_172 = tpu.memref_slice %arg14[%dma_start3A_169, %dma_start3A_170, %dma_start3A_171] : memref<3x64x128xf32, #tpu.memory_space<vmem>> -> memref<1x64x128xf32, #tpu.memory_space<vmem>>
    %dma_start3A_173 = tpu.memref_squeeze %dma_start3A_172 : memref<1x64x128xf32, #tpu.memory_space<vmem>> -> memref<64x128xf32, #tpu.memory_space<vmem>>
    %dma_start3A_174 = arith.constant 0 : i32
    %dma_start3A_175 = arith.constant 0 : i32
    %dma_start3A_176 = tpu.memref_slice %arg15[%dma_start3A_174, %dma_start3A_175] : memref<10112x128xf32, #tpu.memory_space<vmem_shared>> -> memref<10112x128xf32, #tpu.memory_space<vmem_shared>>
    tpu.enqueue_indirect_dma source(%dma_start3A_173 : memref<64x128xf32, #tpu.memory_space<vmem>>) target(%dma_start3A_176 : memref<10112x128xf32, #tpu.memory_space<vmem_shared>>) offsets(%arg13 : memref<64xi32, #tpu.memory_space<vmem>>) semaphore(%arg21 : memref<!tpu.dma_semaphore, #tpu.memory_space<semaphore_mem>>) {add = true}
    %dma_start3A_177 = arith.constant 0 : i32
    %dma_start3A_178 = tpu.memref_slice %arg26[%dma_start3A_177] : memref<10112xf32, #tpu.memory_space<vmem_shared>> -> memref<10112xf32, #tpu.memory_space<vmem_shared>>
    tpu.enqueue_indirect_dma source(%arg25 : memref<64xf32, #tpu.memory_space<vmem>>) target(%dma_start3A_178 : memref<10112xf32, #tpu.memory_space<vmem_shared>>) offsets(%arg13 : memref<64xi32, #tpu.memory_space<vmem>>) semaphore(%arg21 : memref<!tpu.dma_semaphore, #tpu.memory_space<semaphore_mem>>) {add = true}
    %dma_wait3A_179 = arith.constant 2 : i32
    %dma_wait3A_180 = arith.constant 0 : i32
    %dma_wait3A_181 = arith.constant 0 : i32
    %dma_wait3A_182 = tpu.memref_slice %arg14[%dma_wait3A_179, %dma_wait3A_180, %dma_wait3A_181] : memref<3x64x128xf32, #tpu.memory_space<vmem>> -> memref<1x64x128xf32, #tpu.memory_space<vmem>>
    %dma_wait3A_183 = tpu.memref_squeeze %dma_wait3A_182 : memref<1x64x128xf32, #tpu.memory_space<vmem>> -> memref<64x128xf32, #tpu.memory_space<vmem>>
    %dma_wait3A_184 = arith.constant 0 : i32
    %dma_wait3A_185 = arith.constant 0 : i32
    %dma_wait3A_186 = tpu.memref_slice %arg15[%dma_wait3A_184, %dma_wait3A_185] : memref<10112x128xf32, #tpu.memory_space<vmem_shared>> -> memref<10112x128xf32, #tpu.memory_space<vmem_shared>>
    tpu.wait_indirect_dma semaphore(%arg21 : memref<!tpu.dma_semaphore, #tpu.memory_space<semaphore_mem>>) src(%dma_wait3A_183 : memref<64x128xf32, #tpu.memory_space<vmem>>) dst(%dma_wait3A_186 : memref<10112x128xf32, #tpu.memory_space<vmem_shared>>)
    %dma_wait3A_187 = arith.constant 0 : i32
    %dma_wait3A_188 = tpu.memref_slice %arg26[%dma_wait3A_187] : memref<10112xf32, #tpu.memory_space<vmem_shared>> -> memref<10112xf32, #tpu.memory_space<vmem_shared>>
    tpu.wait_indirect_dma semaphore(%arg21 : memref<!tpu.dma_semaphore, #tpu.memory_space<semaphore_mem>>) src(%arg25 : memref<64xf32, #tpu.memory_space<vmem>>) dst(%dma_wait3A_188 : memref<10112xf32, #tpu.memory_space<vmem_shared>>)
    %barrier3A_189 = arith.constant 0 : index
    tpu.barrier barrier_id(%barrier3A_189)
    %mul3A_190 = arith.constant 632 : i32
    %mul3A_191 = arith.muli %arg1, %mul3A_190 : i32
    %lt3A_192 = arith.constant 15 : i32
    %lt3A_193 = arith.cmpi slt, %arg1, %lt3A_192 : i32
    %convert_element_type3A_194 = arith.extui %lt3A_193 : i1 to i32
    %cond3A_195 = arith.constant 0 : i32
    %cond3A_196 = arith.cmpi ne, %convert_element_type3A_194, %cond3A_195 : i32
    scf.if %cond3A_196 {
      "tpu.region"() ({
        %run_scoped3A = tpu.sem_alloc : memref<!tpu.dma_semaphore, #tpu.memory_space<semaphore_mem>>
        %dma_start3A_214 = arith.constant 0 : i32
        %dma_start3A_215 = arith.constant 0 : i32
        %dma_start3A_216 = tpu.memref_slice %arg8[%arg0, %dma_start3A_214, %dma_start3A_215] : memref<2x10000x128xf32, #tpu.memory_space<hbm>> -> memref<1x10000x128xf32, #tpu.memory_space<hbm>>
        %dma_start3A_217 = tpu.memref_squeeze %dma_start3A_216 : memref<1x10000x128xf32, #tpu.memory_space<hbm>> -> memref<10000x128xf32, #tpu.memory_space<hbm>>
        %dma_start3A_218 = arith.constant 0 : i32
        %dma_start3A_219 = tpu.memref_slice %dma_start3A_217[%mul3A_191, %dma_start3A_218] : memref<10000x128xf32, #tpu.memory_space<hbm>> -> memref<632x128xf32, #tpu.memory_space<hbm>>
        %dma_start3A_220 = arith.constant 0 : i32
        %dma_start3A_221 = tpu.memref_slice %arg15[%mul3A_191, %dma_start3A_220] : memref<10112x128xf32, #tpu.memory_space<vmem_shared>> -> memref<632x128xf32, #tpu.memory_space<vmem_shared>>
        tpu.enqueue_dma source(%dma_start3A_221 : memref<632x128xf32, #tpu.memory_space<vmem_shared>>) target(%dma_start3A_219 : memref<632x128xf32, #tpu.memory_space<hbm>>) target_semaphore(%run_scoped3A : memref<!tpu.dma_semaphore, #tpu.memory_space<semaphore_mem>>)
        %dma_wait3A_222 = arith.constant 0 : i32
        %dma_wait3A_223 = arith.constant 0 : i32
        %dma_wait3A_224 = tpu.memref_slice %arg8[%arg0, %dma_wait3A_222, %dma_wait3A_223] : memref<2x10000x128xf32, #tpu.memory_space<hbm>> -> memref<1x10000x128xf32, #tpu.memory_space<hbm>>
        %dma_wait3A_225 = tpu.memref_squeeze %dma_wait3A_224 : memref<1x10000x128xf32, #tpu.memory_space<hbm>> -> memref<10000x128xf32, #tpu.memory_space<hbm>>
        %dma_wait3A_226 = arith.constant 0 : i32
        %dma_wait3A_227 = tpu.memref_slice %dma_wait3A_225[%mul3A_191, %dma_wait3A_226] : memref<10000x128xf32, #tpu.memory_space<hbm>> -> memref<632x128xf32, #tpu.memory_space<hbm>>
        %dma_wait3A_228 = arith.constant 0 : i32
        %dma_wait3A_229 = tpu.memref_slice %arg15[%mul3A_191, %dma_wait3A_228] : memref<10112x128xf32, #tpu.memory_space<vmem_shared>> -> memref<632x128xf32, #tpu.memory_space<vmem_shared>>
        tpu.wait_dma2 semaphore(%run_scoped3A : memref<!tpu.dma_semaphore, #tpu.memory_space<semaphore_mem>>) src(%dma_wait3A_229 : memref<632x128xf32, #tpu.memory_space<vmem_shared>>) dst(%dma_wait3A_227 : memref<632x128xf32, #tpu.memory_space<hbm>>)
        tpu.yield
      }) : () -> ()
    } else {
    }
    %eq3A_197 = arith.constant 15 : i32
    %eq3A_198 = arith.cmpi eq, %arg1, %eq3A_197 : i32
    %convert_element_type3A_199 = arith.extui %eq3A_198 : i1 to i32
    %cond3A_200 = arith.constant 0 : i32
    %cond3A_201 = arith.cmpi ne, %convert_element_type3A_199, %cond3A_200 : i32
    scf.if %cond3A_201 {
      "tpu.region"() ({
        %run_scoped3A = tpu.sem_alloc : memref<!tpu.dma_semaphore, #tpu.memory_space<semaphore_mem>>
        %dma_start3A_214 = arith.constant 0 : i32
        %dma_start3A_215 = arith.constant 0 : i32
        %dma_start3A_216 = tpu.memref_slice %arg8[%arg0, %dma_start3A_214, %dma_start3A_215] : memref<2x10000x128xf32, #tpu.memory_space<hbm>> -> memref<1x10000x128xf32, #tpu.memory_space<hbm>>
        %dma_start3A_217 = tpu.memref_squeeze %dma_start3A_216 : memref<1x10000x128xf32, #tpu.memory_space<hbm>> -> memref<10000x128xf32, #tpu.memory_space<hbm>>
        %dma_start3A_218 = arith.constant 9480 : i32
        %dma_start3A_219 = arith.constant 0 : i32
        %dma_start3A_220 = tpu.memref_slice %dma_start3A_217[%dma_start3A_218, %dma_start3A_219] : memref<10000x128xf32, #tpu.memory_space<hbm>> -> memref<520x128xf32, #tpu.memory_space<hbm>>
        %dma_start3A_221 = arith.constant 9480 : i32
        %dma_start3A_222 = arith.constant 0 : i32
        %dma_start3A_223 = tpu.memref_slice %arg15[%dma_start3A_221, %dma_start3A_222] : memref<10112x128xf32, #tpu.memory_space<vmem_shared>> -> memref<520x128xf32, #tpu.memory_space<vmem_shared>>
        tpu.enqueue_dma source(%dma_start3A_223 : memref<520x128xf32, #tpu.memory_space<vmem_shared>>) target(%dma_start3A_220 : memref<520x128xf32, #tpu.memory_space<hbm>>) target_semaphore(%run_scoped3A : memref<!tpu.dma_semaphore, #tpu.memory_space<semaphore_mem>>)
        %dma_wait3A_224 = arith.constant 0 : i32
        %dma_wait3A_225 = arith.constant 0 : i32
        %dma_wait3A_226 = tpu.memref_slice %arg8[%arg0, %dma_wait3A_224, %dma_wait3A_225] : memref<2x10000x128xf32, #tpu.memory_space<hbm>> -> memref<1x10000x128xf32, #tpu.memory_space<hbm>>
        %dma_wait3A_227 = tpu.memref_squeeze %dma_wait3A_226 : memref<1x10000x128xf32, #tpu.memory_space<hbm>> -> memref<10000x128xf32, #tpu.memory_space<hbm>>
        %dma_wait3A_228 = arith.constant 9480 : i32
        %dma_wait3A_229 = arith.constant 0 : i32
        %dma_wait3A_230 = tpu.memref_slice %dma_wait3A_227[%dma_wait3A_228, %dma_wait3A_229] : memref<10000x128xf32, #tpu.memory_space<hbm>> -> memref<520x128xf32, #tpu.memory_space<hbm>>
        %dma_wait3A_231 = arith.constant 9480 : i32
        %dma_wait3A_232 = arith.constant 0 : i32
        %dma_wait3A_233 = tpu.memref_slice %arg15[%dma_wait3A_231, %dma_wait3A_232] : memref<10112x128xf32, #tpu.memory_space<vmem_shared>> -> memref<520x128xf32, #tpu.memory_space<vmem_shared>>
        tpu.wait_dma2 semaphore(%run_scoped3A : memref<!tpu.dma_semaphore, #tpu.memory_space<semaphore_mem>>) src(%dma_wait3A_233 : memref<520x128xf32, #tpu.memory_space<vmem_shared>>) dst(%dma_wait3A_230 : memref<520x128xf32, #tpu.memory_space<hbm>>)
        tpu.yield
      }) : () -> ()
    } else {
    }
    %mul3A_202 = arith.constant 640 : i32
    %mul3A_203 = arith.muli %arg1, %mul3A_202 : i32
    %lt3A_204 = arith.constant 15 : i32
    %lt3A_205 = arith.cmpi slt, %arg1, %lt3A_204 : i32
    %convert_element_type3A_206 = arith.extui %lt3A_205 : i1 to i32
    %cond3A_207 = arith.constant 0 : i32
    %cond3A_208 = arith.cmpi ne, %convert_element_type3A_206, %cond3A_207 : i32
    scf.if %cond3A_208 {
      "tpu.region"() ({
        %run_scoped3A = tpu.sem_alloc : memref<!tpu.dma_semaphore, #tpu.memory_space<semaphore_mem>>
        %dma_start3A_214 = arith.constant 0 : i32
        %dma_start3A_215 = tpu.memref_slice %arg9[%arg0, %dma_start3A_214] : memref<2x10112xf32, #tpu.memory_space<hbm>> -> memref<1x10112xf32, #tpu.memory_space<hbm>>
        %dma_start3A_216 = tpu.memref_squeeze %dma_start3A_215 : memref<1x10112xf32, #tpu.memory_space<hbm>> -> memref<10112xf32, #tpu.memory_space<hbm>>
        %dma_start3A_217 = tpu.memref_slice %dma_start3A_216[%mul3A_203] : memref<10112xf32, #tpu.memory_space<hbm>> -> memref<640xf32, #tpu.memory_space<hbm>>
        %dma_start3A_218 = tpu.memref_slice %arg26[%mul3A_203] : memref<10112xf32, #tpu.memory_space<vmem_shared>> -> memref<640xf32, #tpu.memory_space<vmem_shared>>
        tpu.enqueue_dma source(%dma_start3A_218 : memref<640xf32, #tpu.memory_space<vmem_shared>>) target(%dma_start3A_217 : memref<640xf32, #tpu.memory_space<hbm>>) target_semaphore(%run_scoped3A : memref<!tpu.dma_semaphore, #tpu.memory_space<semaphore_mem>>)
        %dma_wait3A_219 = arith.constant 0 : i32
        %dma_wait3A_220 = tpu.memref_slice %arg9[%arg0, %dma_wait3A_219] : memref<2x10112xf32, #tpu.memory_space<hbm>> -> memref<1x10112xf32, #tpu.memory_space<hbm>>
        %dma_wait3A_221 = tpu.memref_squeeze %dma_wait3A_220 : memref<1x10112xf32, #tpu.memory_space<hbm>> -> memref<10112xf32, #tpu.memory_space<hbm>>
        %dma_wait3A_222 = tpu.memref_slice %dma_wait3A_221[%mul3A_203] : memref<10112xf32, #tpu.memory_space<hbm>> -> memref<640xf32, #tpu.memory_space<hbm>>
        %dma_wait3A_223 = tpu.memref_slice %arg26[%mul3A_203] : memref<10112xf32, #tpu.memory_space<vmem_shared>> -> memref<640xf32, #tpu.memory_space<vmem_shared>>
        tpu.wait_dma2 semaphore(%run_scoped3A : memref<!tpu.dma_semaphore, #tpu.memory_space<semaphore_mem>>) src(%dma_wait3A_223 : memref<640xf32, #tpu.memory_space<vmem_shared>>) dst(%dma_wait3A_222 : memref<640xf32, #tpu.memory_space<hbm>>)
        tpu.yield
      }) : () -> ()
    } else {
    }
    %eq3A_209 = arith.constant 15 : i32
    %eq3A_210 = arith.cmpi eq, %arg1, %eq3A_209 : i32
    %convert_element_type3A_211 = arith.extui %eq3A_210 : i1 to i32
    %cond3A_212 = arith.constant 0 : i32
    %cond3A_213 = arith.cmpi ne, %convert_element_type3A_211, %cond3A_212 : i32
    scf.if %cond3A_213 {
      "tpu.region"() ({
        %run_scoped3A = tpu.sem_alloc : memref<!tpu.dma_semaphore, #tpu.memory_space<semaphore_mem>>
        %dma_start3A_214 = arith.constant 0 : i32
        %dma_start3A_215 = tpu.memref_slice %arg9[%arg0, %dma_start3A_214] : memref<2x10112xf32, #tpu.memory_space<hbm>> -> memref<1x10112xf32, #tpu.memory_space<hbm>>
        %dma_start3A_216 = tpu.memref_squeeze %dma_start3A_215 : memref<1x10112xf32, #tpu.memory_space<hbm>> -> memref<10112xf32, #tpu.memory_space<hbm>>
        %dma_start3A_217 = arith.constant 9600 : i32
        %dma_start3A_218 = tpu.memref_slice %dma_start3A_216[%dma_start3A_217] : memref<10112xf32, #tpu.memory_space<hbm>> -> memref<512xf32, #tpu.memory_space<hbm>>
        %dma_start3A_219 = arith.constant 9600 : i32
        %dma_start3A_220 = tpu.memref_slice %arg26[%dma_start3A_219] : memref<10112xf32, #tpu.memory_space<vmem_shared>> -> memref<512xf32, #tpu.memory_space<vmem_shared>>
        tpu.enqueue_dma source(%dma_start3A_220 : memref<512xf32, #tpu.memory_space<vmem_shared>>) target(%dma_start3A_218 : memref<512xf32, #tpu.memory_space<hbm>>) target_semaphore(%run_scoped3A : memref<!tpu.dma_semaphore, #tpu.memory_space<semaphore_mem>>)
        %dma_wait3A_221 = arith.constant 0 : i32
        %dma_wait3A_222 = tpu.memref_slice %arg9[%arg0, %dma_wait3A_221] : memref<2x10112xf32, #tpu.memory_space<hbm>> -> memref<1x10112xf32, #tpu.memory_space<hbm>>
        %dma_wait3A_223 = tpu.memref_squeeze %dma_wait3A_222 : memref<1x10112xf32, #tpu.memory_space<hbm>> -> memref<10112xf32, #tpu.memory_space<hbm>>
        %dma_wait3A_224 = arith.constant 9600 : i32
        %dma_wait3A_225 = tpu.memref_slice %dma_wait3A_223[%dma_wait3A_224] : memref<10112xf32, #tpu.memory_space<hbm>> -> memref<512xf32, #tpu.memory_space<hbm>>
        %dma_wait3A_226 = arith.constant 9600 : i32
        %dma_wait3A_227 = tpu.memref_slice %arg26[%dma_wait3A_226] : memref<10112xf32, #tpu.memory_space<vmem_shared>> -> memref<512xf32, #tpu.memory_space<vmem_shared>>
        tpu.wait_dma2 semaphore(%run_scoped3A : memref<!tpu.dma_semaphore, #tpu.memory_space<semaphore_mem>>) src(%dma_wait3A_227 : memref<512xf32, #tpu.memory_space<vmem_shared>>) dst(%dma_wait3A_225 : memref<512xf32, #tpu.memory_space<hbm>>)
        tpu.yield
      }) : () -> ()
    } else {
    }
    return
  }
}

#map = affine_map<(d0, d1) -> (0, 0)>
#map1 = affine_map<(d0, d1) -> (0)>
#map2 = affine_map<(d0, d1) -> (0, 0, 0)>
module attributes {stable_mosaic.version = 14 : i64} {
  func.func @segsum(%arg0: i32, %arg1: i32, %arg2: memref<10000x128xf32, #tpu.memory_space<hbm>>, %arg3: memref<5376x64xi32, #tpu.memory_space<hbm>>, %arg4: memref<344064xi32, #tpu.memory_space<hbm>>, %arg5: memref<10112x128xf32, #tpu.memory_space<hbm>>, %arg6: memref<64xf32, #tpu.memory_space<hbm>>, %arg7: memref<10112xf32, #tpu.memory_space<hbm>>, %arg8: memref<2x10000x128xf32, #tpu.memory_space<hbm>>, %arg9: memref<168x64xi32, #tpu.memory_space<vmem>>, %arg10: memref<64xi32, #tpu.memory_space<vmem>>, %arg11: memref<64xi32, #tpu.memory_space<vmem>>, %arg12: memref<64xi32, #tpu.memory_space<vmem>>, %arg13: memref<3x64x128xf32, #tpu.memory_space<vmem>>, %arg14: memref<10112x128xf32, #tpu.memory_space<vmem_shared>>, %arg15: memref<!tpu.dma_semaphore, #tpu.memory_space<semaphore_mem>>, %arg16: memref<!tpu.dma_semaphore, #tpu.memory_space<semaphore_mem>>, %arg17: memref<!tpu.dma_semaphore, #tpu.memory_space<semaphore_mem>>, %arg18: memref<!tpu.dma_semaphore, #tpu.memory_space<semaphore_mem>>, %arg19: memref<!tpu.dma_semaphore, #tpu.memory_space<semaphore_mem>>, %arg20: memref<!tpu.dma_semaphore, #tpu.memory_space<semaphore_mem>>, %arg21: memref<!tpu.dma_semaphore, #tpu.memory_space<semaphore_mem>>, %arg22: memref<!tpu.dma_semaphore, #tpu.memory_space<semaphore_mem>>, %arg23: memref<!tpu.dma_semaphore, #tpu.memory_space<semaphore_mem>>) attributes {dimension_semantics = [#tpu.dimension_semantics<core_parallel>, #tpu.dimension_semantics<subcore_parallel>], iteration_bounds = array<i64: 2, 16>, scalar_prefetch = 0 : i64, scratch_operands = 15 : i64, tpu.core_type = #tpu.core_type<sc_vector_subcore>, window_params = [{transform_indices = #map}, {transform_indices = #map}, {transform_indices = #map1}, {transform_indices = #map}, {transform_indices = #map1}, {transform_indices = #map1}, {transform_indices = #map2}]} {
    %mul3A = arith.constant 16 : i32
    %mul3A_0 = arith.muli %arg0, %mul3A : i32
    %add3A = arith.addi %mul3A_0, %arg1 : i32
    %mul3A_1 = arith.constant 632 : i32
    %mul3A_2 = arith.muli %arg1, %mul3A_1 : i32
    %mul3A_3 = arith.constant 168 : i32
    %mul3A_4 = arith.muli %add3A, %mul3A_3 : i32
    %dma_start3A = arith.constant 0 : i32
    %dma_start3A_5 = tpu.memref_slice %arg3[%mul3A_4, %dma_start3A] : memref<5376x64xi32, #tpu.memory_space<hbm>> -> memref<168x64xi32, #tpu.memory_space<hbm>>
    %dma_start3A_6 = arith.constant 0 : i32
    %dma_start3A_7 = tpu.memref_slice %arg3[%mul3A_4, %dma_start3A_6] : memref<5376x64xi32, #tpu.memory_space<hbm>> -> memref<168x64xi32, #tpu.memory_space<hbm>>
    tpu.enqueue_dma source(%dma_start3A_7 : memref<168x64xi32, #tpu.memory_space<hbm>>) target(%arg9 : memref<168x64xi32, #tpu.memory_space<vmem>>) target_semaphore(%arg15 : memref<!tpu.dma_semaphore, #tpu.memory_space<semaphore_mem>>)
    %dma_start3A_8 = arith.constant 0 : i32
    %dma_start3A_9 = tpu.memref_slice %arg14[%mul3A_2, %dma_start3A_8] : memref<10112x128xf32, #tpu.memory_space<vmem_shared>> -> memref<632x128xf32, #tpu.memory_space<vmem_shared>>
    %dma_start3A_10 = arith.constant 0 : i32
    %dma_start3A_11 = tpu.memref_slice %arg5[%mul3A_2, %dma_start3A_10] : memref<10112x128xf32, #tpu.memory_space<hbm>> -> memref<632x128xf32, #tpu.memory_space<hbm>>
    tpu.enqueue_dma source(%dma_start3A_11 : memref<632x128xf32, #tpu.memory_space<hbm>>) target(%dma_start3A_9 : memref<632x128xf32, #tpu.memory_space<vmem_shared>>) target_semaphore(%arg18 : memref<!tpu.dma_semaphore, #tpu.memory_space<semaphore_mem>>)
    %dma_wait3A = arith.constant 0 : i32
    %dma_wait3A_12 = tpu.memref_slice %arg3[%mul3A_4, %dma_wait3A] : memref<5376x64xi32, #tpu.memory_space<hbm>> -> memref<168x64xi32, #tpu.memory_space<hbm>>
    %dma_wait3A_13 = arith.constant 0 : i32
    %dma_wait3A_14 = tpu.memref_slice %arg3[%mul3A_4, %dma_wait3A_13] : memref<5376x64xi32, #tpu.memory_space<hbm>> -> memref<168x64xi32, #tpu.memory_space<hbm>>
    tpu.wait_dma2 semaphore(%arg15 : memref<!tpu.dma_semaphore, #tpu.memory_space<semaphore_mem>>) src(%dma_wait3A_14 : memref<168x64xi32, #tpu.memory_space<hbm>>) dst(%arg9 : memref<168x64xi32, #tpu.memory_space<vmem>>)
    %dma_wait3A_15 = arith.constant 0 : i32
    %dma_wait3A_16 = tpu.memref_slice %arg14[%mul3A_2, %dma_wait3A_15] : memref<10112x128xf32, #tpu.memory_space<vmem_shared>> -> memref<632x128xf32, #tpu.memory_space<vmem_shared>>
    %dma_wait3A_17 = arith.constant 0 : i32
    %dma_wait3A_18 = tpu.memref_slice %arg5[%mul3A_2, %dma_wait3A_17] : memref<10112x128xf32, #tpu.memory_space<hbm>> -> memref<632x128xf32, #tpu.memory_space<hbm>>
    tpu.wait_dma2 semaphore(%arg18 : memref<!tpu.dma_semaphore, #tpu.memory_space<semaphore_mem>>) src(%dma_wait3A_18 : memref<632x128xf32, #tpu.memory_space<hbm>>) dst(%dma_wait3A_16 : memref<632x128xf32, #tpu.memory_space<vmem_shared>>)
    %barrier3A = arith.constant 0 : index
    tpu.barrier barrier_id(%barrier3A)
    %mul3A_19 = arith.constant 10752 : i32
    %mul3A_20 = arith.muli %add3A, %mul3A_19 : i32
    %add3A_21 = arith.constant 0 : i32
    %add3A_22 = arith.addi %mul3A_20, %add3A_21 : i32
    %dma_start3A_23 = tpu.memref_slice %arg4[%add3A_22] : memref<344064xi32, #tpu.memory_space<hbm>> -> memref<64xi32, #tpu.memory_space<hbm>>
    %dma_start3A_24 = tpu.memref_slice %arg4[%add3A_22] : memref<344064xi32, #tpu.memory_space<hbm>> -> memref<64xi32, #tpu.memory_space<hbm>>
    tpu.enqueue_dma source(%dma_start3A_24 : memref<64xi32, #tpu.memory_space<hbm>>) target(%arg10 : memref<64xi32, #tpu.memory_space<vmem>>) target_semaphore(%arg21 : memref<!tpu.dma_semaphore, #tpu.memory_space<semaphore_mem>>)
    %dma_start3A_25 = arith.constant 0 : i32
    %dma_start3A_26 = arith.constant 0 : i32
    %dma_start3A_27 = arith.constant 0 : i32
    %dma_start3A_28 = arith.constant 0 : i32
    %dma_start3A_29 = tpu.memref_slice %arg13[%dma_start3A_26, %dma_start3A_27, %dma_start3A_28] : memref<3x64x128xf32, #tpu.memory_space<vmem>> -> memref<1x64x128xf32, #tpu.memory_space<vmem>>
    %dma_start3A_30 = tpu.memref_squeeze %dma_start3A_29 : memref<1x64x128xf32, #tpu.memory_space<vmem>> -> memref<64x128xf32, #tpu.memory_space<vmem>>
    %dma_start3A_31 = arith.constant 0 : i32
    %dma_start3A_32 = tpu.memref_slice %arg9[%dma_start3A_25, %dma_start3A_31] : memref<168x64xi32, #tpu.memory_space<vmem>> -> memref<1x64xi32, #tpu.memory_space<vmem>>
    %dma_start3A_33 = tpu.memref_squeeze %dma_start3A_32 : memref<1x64xi32, #tpu.memory_space<vmem>> -> memref<64xi32, #tpu.memory_space<vmem>>
    %dma_start3A_34 = arith.constant 0 : i32
    %dma_start3A_35 = arith.constant 0 : i32
    %dma_start3A_36 = tpu.memref_slice %arg2[%dma_start3A_34, %dma_start3A_35] : memref<10000x128xf32, #tpu.memory_space<hbm>> -> memref<10000x128xf32, #tpu.memory_space<hbm>>
    tpu.enqueue_indirect_dma source(%dma_start3A_36 : memref<10000x128xf32, #tpu.memory_space<hbm>>) target(%dma_start3A_30 : memref<64x128xf32, #tpu.memory_space<vmem>>) offsets(%dma_start3A_33 : memref<64xi32, #tpu.memory_space<vmem>>) semaphore(%arg15 : memref<!tpu.dma_semaphore, #tpu.memory_space<semaphore_mem>>)
    %add3A_37 = arith.constant 64 : i32
    %add3A_38 = arith.addi %mul3A_20, %add3A_37 : i32
    %dma_start3A_39 = tpu.memref_slice %arg4[%add3A_38] : memref<344064xi32, #tpu.memory_space<hbm>> -> memref<64xi32, #tpu.memory_space<hbm>>
    %dma_start3A_40 = tpu.memref_slice %arg4[%add3A_38] : memref<344064xi32, #tpu.memory_space<hbm>> -> memref<64xi32, #tpu.memory_space<hbm>>
    tpu.enqueue_dma source(%dma_start3A_40 : memref<64xi32, #tpu.memory_space<hbm>>) target(%arg11 : memref<64xi32, #tpu.memory_space<vmem>>) target_semaphore(%arg22 : memref<!tpu.dma_semaphore, #tpu.memory_space<semaphore_mem>>)
    %dma_start3A_41 = arith.constant 1 : i32
    %dma_start3A_42 = arith.constant 1 : i32
    %dma_start3A_43 = arith.constant 0 : i32
    %dma_start3A_44 = arith.constant 0 : i32
    %dma_start3A_45 = tpu.memref_slice %arg13[%dma_start3A_42, %dma_start3A_43, %dma_start3A_44] : memref<3x64x128xf32, #tpu.memory_space<vmem>> -> memref<1x64x128xf32, #tpu.memory_space<vmem>>
    %dma_start3A_46 = tpu.memref_squeeze %dma_start3A_45 : memref<1x64x128xf32, #tpu.memory_space<vmem>> -> memref<64x128xf32, #tpu.memory_space<vmem>>
    %dma_start3A_47 = arith.constant 0 : i32
    %dma_start3A_48 = tpu.memref_slice %arg9[%dma_start3A_41, %dma_start3A_47] : memref<168x64xi32, #tpu.memory_space<vmem>> -> memref<1x64xi32, #tpu.memory_space<vmem>>
    %dma_start3A_49 = tpu.memref_squeeze %dma_start3A_48 : memref<1x64xi32, #tpu.memory_space<vmem>> -> memref<64xi32, #tpu.memory_space<vmem>>
    %dma_start3A_50 = arith.constant 0 : i32
    %dma_start3A_51 = arith.constant 0 : i32
    %dma_start3A_52 = tpu.memref_slice %arg2[%dma_start3A_50, %dma_start3A_51] : memref<10000x128xf32, #tpu.memory_space<hbm>> -> memref<10000x128xf32, #tpu.memory_space<hbm>>
    tpu.enqueue_indirect_dma source(%dma_start3A_52 : memref<10000x128xf32, #tpu.memory_space<hbm>>) target(%dma_start3A_46 : memref<64x128xf32, #tpu.memory_space<vmem>>) offsets(%dma_start3A_49 : memref<64xi32, #tpu.memory_space<vmem>>) semaphore(%arg16 : memref<!tpu.dma_semaphore, #tpu.memory_space<semaphore_mem>>)
    %add3A_53 = arith.constant 128 : i32
    %add3A_54 = arith.addi %mul3A_20, %add3A_53 : i32
    %dma_start3A_55 = tpu.memref_slice %arg4[%add3A_54] : memref<344064xi32, #tpu.memory_space<hbm>> -> memref<64xi32, #tpu.memory_space<hbm>>
    %dma_start3A_56 = tpu.memref_slice %arg4[%add3A_54] : memref<344064xi32, #tpu.memory_space<hbm>> -> memref<64xi32, #tpu.memory_space<hbm>>
    tpu.enqueue_dma source(%dma_start3A_56 : memref<64xi32, #tpu.memory_space<hbm>>) target(%arg12 : memref<64xi32, #tpu.memory_space<vmem>>) target_semaphore(%arg23 : memref<!tpu.dma_semaphore, #tpu.memory_space<semaphore_mem>>)
    %dma_start3A_57 = arith.constant 2 : i32
    %dma_start3A_58 = arith.constant 2 : i32
    %dma_start3A_59 = arith.constant 0 : i32
    %dma_start3A_60 = arith.constant 0 : i32
    %dma_start3A_61 = tpu.memref_slice %arg13[%dma_start3A_58, %dma_start3A_59, %dma_start3A_60] : memref<3x64x128xf32, #tpu.memory_space<vmem>> -> memref<1x64x128xf32, #tpu.memory_space<vmem>>
    %dma_start3A_62 = tpu.memref_squeeze %dma_start3A_61 : memref<1x64x128xf32, #tpu.memory_space<vmem>> -> memref<64x128xf32, #tpu.memory_space<vmem>>
    %dma_start3A_63 = arith.constant 0 : i32
    %dma_start3A_64 = tpu.memref_slice %arg9[%dma_start3A_57, %dma_start3A_63] : memref<168x64xi32, #tpu.memory_space<vmem>> -> memref<1x64xi32, #tpu.memory_space<vmem>>
    %dma_start3A_65 = tpu.memref_squeeze %dma_start3A_64 : memref<1x64xi32, #tpu.memory_space<vmem>> -> memref<64xi32, #tpu.memory_space<vmem>>
    %dma_start3A_66 = arith.constant 0 : i32
    %dma_start3A_67 = arith.constant 0 : i32
    %dma_start3A_68 = tpu.memref_slice %arg2[%dma_start3A_66, %dma_start3A_67] : memref<10000x128xf32, #tpu.memory_space<hbm>> -> memref<10000x128xf32, #tpu.memory_space<hbm>>
    tpu.enqueue_indirect_dma source(%dma_start3A_68 : memref<10000x128xf32, #tpu.memory_space<hbm>>) target(%dma_start3A_62 : memref<64x128xf32, #tpu.memory_space<vmem>>) offsets(%dma_start3A_65 : memref<64xi32, #tpu.memory_space<vmem>>) semaphore(%arg17 : memref<!tpu.dma_semaphore, #tpu.memory_space<semaphore_mem>>)
    %scan3A = arith.constant 0 : i32
    %scan3A_69 = arith.constant 55 : i32
    %scan3A_70 = arith.addi %scan3A, %scan3A_69 : i32
    %scan3A_71 = arith.constant 1 : i32
    scf.for %scan3A_178 = %scan3A to %scan3A_70 step %scan3A_71  : i32 {
      %mul3A_179 = arith.constant 3 : i32
      %mul3A_180 = arith.muli %scan3A_178, %mul3A_179 : i32
      %add3A_181 = arith.constant 0 : i32
      %add3A_182 = arith.addi %add3A_181, %mul3A_180 : i32
      %add3A_183 = arith.constant 0 : i32
      %add3A_184 = arith.addi %add3A_182, %add3A_183 : i32
      %dma_wait3A_185 = arith.constant 0 : i32
      %dma_wait3A_186 = arith.constant 0 : i32
      %dma_wait3A_187 = arith.constant 0 : i32
      %dma_wait3A_188 = tpu.memref_slice %arg13[%dma_wait3A_185, %dma_wait3A_186, %dma_wait3A_187] : memref<3x64x128xf32, #tpu.memory_space<vmem>> -> memref<1x64x128xf32, #tpu.memory_space<vmem>>
      %dma_wait3A_189 = tpu.memref_squeeze %dma_wait3A_188 : memref<1x64x128xf32, #tpu.memory_space<vmem>> -> memref<64x128xf32, #tpu.memory_space<vmem>>
      %dma_wait3A_190 = arith.constant 0 : i32
      %dma_wait3A_191 = tpu.memref_slice %arg9[%add3A_184, %dma_wait3A_190] : memref<168x64xi32, #tpu.memory_space<vmem>> -> memref<1x64xi32, #tpu.memory_space<vmem>>
      %dma_wait3A_192 = tpu.memref_squeeze %dma_wait3A_191 : memref<1x64xi32, #tpu.memory_space<vmem>> -> memref<64xi32, #tpu.memory_space<vmem>>
      %dma_wait3A_193 = arith.constant 0 : i32
      %dma_wait3A_194 = arith.constant 0 : i32
      %dma_wait3A_195 = tpu.memref_slice %arg2[%dma_wait3A_193, %dma_wait3A_194] : memref<10000x128xf32, #tpu.memory_space<hbm>> -> memref<10000x128xf32, #tpu.memory_space<hbm>>
      tpu.wait_indirect_dma semaphore(%arg15 : memref<!tpu.dma_semaphore, #tpu.memory_space<semaphore_mem>>) src(%dma_wait3A_195 : memref<10000x128xf32, #tpu.memory_space<hbm>>) dst(%dma_wait3A_189 : memref<64x128xf32, #tpu.memory_space<vmem>>)
      %mul3A_196 = arith.constant 64 : i32
      %mul3A_197 = arith.muli %add3A_184, %mul3A_196 : i32
      %add3A_198 = arith.addi %mul3A_20, %mul3A_197 : i32
      %dma_wait3A_199 = tpu.memref_slice %arg4[%add3A_198] : memref<344064xi32, #tpu.memory_space<hbm>> -> memref<64xi32, #tpu.memory_space<hbm>>
      %dma_wait3A_200 = tpu.memref_slice %arg4[%add3A_198] : memref<344064xi32, #tpu.memory_space<hbm>> -> memref<64xi32, #tpu.memory_space<hbm>>
      tpu.wait_dma2 semaphore(%arg21 : memref<!tpu.dma_semaphore, #tpu.memory_space<semaphore_mem>>) src(%dma_wait3A_200 : memref<64xi32, #tpu.memory_space<hbm>>) dst(%arg10 : memref<64xi32, #tpu.memory_space<vmem>>)
      %dma_start3A_201 = arith.constant 0 : i32
      %dma_start3A_202 = arith.constant 0 : i32
      %dma_start3A_203 = arith.constant 0 : i32
      %dma_start3A_204 = tpu.memref_slice %arg13[%dma_start3A_201, %dma_start3A_202, %dma_start3A_203] : memref<3x64x128xf32, #tpu.memory_space<vmem>> -> memref<1x64x128xf32, #tpu.memory_space<vmem>>
      %dma_start3A_205 = tpu.memref_squeeze %dma_start3A_204 : memref<1x64x128xf32, #tpu.memory_space<vmem>> -> memref<64x128xf32, #tpu.memory_space<vmem>>
      %dma_start3A_206 = arith.constant 0 : i32
      %dma_start3A_207 = arith.constant 0 : i32
      %dma_start3A_208 = tpu.memref_slice %arg14[%dma_start3A_206, %dma_start3A_207] : memref<10112x128xf32, #tpu.memory_space<vmem_shared>> -> memref<10112x128xf32, #tpu.memory_space<vmem_shared>>
      tpu.enqueue_indirect_dma source(%dma_start3A_205 : memref<64x128xf32, #tpu.memory_space<vmem>>) target(%dma_start3A_208 : memref<10112x128xf32, #tpu.memory_space<vmem_shared>>) offsets(%arg10 : memref<64xi32, #tpu.memory_space<vmem>>) semaphore(%arg18 : memref<!tpu.dma_semaphore, #tpu.memory_space<semaphore_mem>>) {add = true}
      %dma_wait3A_209 = arith.constant 0 : i32
      %dma_wait3A_210 = arith.constant 0 : i32
      %dma_wait3A_211 = arith.constant 0 : i32
      %dma_wait3A_212 = tpu.memref_slice %arg13[%dma_wait3A_209, %dma_wait3A_210, %dma_wait3A_211] : memref<3x64x128xf32, #tpu.memory_space<vmem>> -> memref<1x64x128xf32, #tpu.memory_space<vmem>>
      %dma_wait3A_213 = tpu.memref_squeeze %dma_wait3A_212 : memref<1x64x128xf32, #tpu.memory_space<vmem>> -> memref<64x128xf32, #tpu.memory_space<vmem>>
      %dma_wait3A_214 = arith.constant 0 : i32
      %dma_wait3A_215 = arith.constant 0 : i32
      %dma_wait3A_216 = tpu.memref_slice %arg14[%dma_wait3A_214, %dma_wait3A_215] : memref<10112x128xf32, #tpu.memory_space<vmem_shared>> -> memref<10112x128xf32, #tpu.memory_space<vmem_shared>>
      tpu.wait_indirect_dma semaphore(%arg18 : memref<!tpu.dma_semaphore, #tpu.memory_space<semaphore_mem>>) src(%dma_wait3A_213 : memref<64x128xf32, #tpu.memory_space<vmem>>) dst(%dma_wait3A_216 : memref<10112x128xf32, #tpu.memory_space<vmem_shared>>)
      %add3A_217 = arith.constant 3 : i32
      %add3A_218 = arith.addi %add3A_184, %add3A_217 : i32
      %mul3A_219 = arith.constant 64 : i32
      %mul3A_220 = arith.muli %add3A_218, %mul3A_219 : i32
      %add3A_221 = arith.addi %mul3A_20, %mul3A_220 : i32
      %dma_start3A_222 = tpu.memref_slice %arg4[%add3A_221] : memref<344064xi32, #tpu.memory_space<hbm>> -> memref<64xi32, #tpu.memory_space<hbm>>
      %dma_start3A_223 = tpu.memref_slice %arg4[%add3A_221] : memref<344064xi32, #tpu.memory_space<hbm>> -> memref<64xi32, #tpu.memory_space<hbm>>
      tpu.enqueue_dma source(%dma_start3A_223 : memref<64xi32, #tpu.memory_space<hbm>>) target(%arg10 : memref<64xi32, #tpu.memory_space<vmem>>) target_semaphore(%arg21 : memref<!tpu.dma_semaphore, #tpu.memory_space<semaphore_mem>>)
      %add3A_224 = arith.constant 3 : i32
      %add3A_225 = arith.addi %add3A_184, %add3A_224 : i32
      %dma_start3A_226 = arith.constant 0 : i32
      %dma_start3A_227 = arith.constant 0 : i32
      %dma_start3A_228 = arith.constant 0 : i32
      %dma_start3A_229 = tpu.memref_slice %arg13[%dma_start3A_226, %dma_start3A_227, %dma_start3A_228] : memref<3x64x128xf32, #tpu.memory_space<vmem>> -> memref<1x64x128xf32, #tpu.memory_space<vmem>>
      %dma_start3A_230 = tpu.memref_squeeze %dma_start3A_229 : memref<1x64x128xf32, #tpu.memory_space<vmem>> -> memref<64x128xf32, #tpu.memory_space<vmem>>
      %dma_start3A_231 = arith.constant 0 : i32
      %dma_start3A_232 = tpu.memref_slice %arg9[%add3A_225, %dma_start3A_231] : memref<168x64xi32, #tpu.memory_space<vmem>> -> memref<1x64xi32, #tpu.memory_space<vmem>>
      %dma_start3A_233 = tpu.memref_squeeze %dma_start3A_232 : memref<1x64xi32, #tpu.memory_space<vmem>> -> memref<64xi32, #tpu.memory_space<vmem>>
      %dma_start3A_234 = arith.constant 0 : i32
      %dma_start3A_235 = arith.constant 0 : i32
      %dma_start3A_236 = tpu.memref_slice %arg2[%dma_start3A_234, %dma_start3A_235] : memref<10000x128xf32, #tpu.memory_space<hbm>> -> memref<10000x128xf32, #tpu.memory_space<hbm>>
      tpu.enqueue_indirect_dma source(%dma_start3A_236 : memref<10000x128xf32, #tpu.memory_space<hbm>>) target(%dma_start3A_230 : memref<64x128xf32, #tpu.memory_space<vmem>>) offsets(%dma_start3A_233 : memref<64xi32, #tpu.memory_space<vmem>>) semaphore(%arg15 : memref<!tpu.dma_semaphore, #tpu.memory_space<semaphore_mem>>)
      %add3A_237 = arith.constant 1 : i32
      %add3A_238 = arith.addi %add3A_182, %add3A_237 : i32
      %dma_wait3A_239 = arith.constant 1 : i32
      %dma_wait3A_240 = arith.constant 0 : i32
      %dma_wait3A_241 = arith.constant 0 : i32
      %dma_wait3A_242 = tpu.memref_slice %arg13[%dma_wait3A_239, %dma_wait3A_240, %dma_wait3A_241] : memref<3x64x128xf32, #tpu.memory_space<vmem>> -> memref<1x64x128xf32, #tpu.memory_space<vmem>>
      %dma_wait3A_243 = tpu.memref_squeeze %dma_wait3A_242 : memref<1x64x128xf32, #tpu.memory_space<vmem>> -> memref<64x128xf32, #tpu.memory_space<vmem>>
      %dma_wait3A_244 = arith.constant 0 : i32
      %dma_wait3A_245 = tpu.memref_slice %arg9[%add3A_238, %dma_wait3A_244] : memref<168x64xi32, #tpu.memory_space<vmem>> -> memref<1x64xi32, #tpu.memory_space<vmem>>
      %dma_wait3A_246 = tpu.memref_squeeze %dma_wait3A_245 : memref<1x64xi32, #tpu.memory_space<vmem>> -> memref<64xi32, #tpu.memory_space<vmem>>
      %dma_wait3A_247 = arith.constant 0 : i32
      %dma_wait3A_248 = arith.constant 0 : i32
      %dma_wait3A_249 = tpu.memref_slice %arg2[%dma_wait3A_247, %dma_wait3A_248] : memref<10000x128xf32, #tpu.memory_space<hbm>> -> memref<10000x128xf32, #tpu.memory_space<hbm>>
      tpu.wait_indirect_dma semaphore(%arg16 : memref<!tpu.dma_semaphore, #tpu.memory_space<semaphore_mem>>) src(%dma_wait3A_249 : memref<10000x128xf32, #tpu.memory_space<hbm>>) dst(%dma_wait3A_243 : memref<64x128xf32, #tpu.memory_space<vmem>>)
      %mul3A_250 = arith.constant 64 : i32
      %mul3A_251 = arith.muli %add3A_238, %mul3A_250 : i32
      %add3A_252 = arith.addi %mul3A_20, %mul3A_251 : i32
      %dma_wait3A_253 = tpu.memref_slice %arg4[%add3A_252] : memref<344064xi32, #tpu.memory_space<hbm>> -> memref<64xi32, #tpu.memory_space<hbm>>
      %dma_wait3A_254 = tpu.memref_slice %arg4[%add3A_252] : memref<344064xi32, #tpu.memory_space<hbm>> -> memref<64xi32, #tpu.memory_space<hbm>>
      tpu.wait_dma2 semaphore(%arg22 : memref<!tpu.dma_semaphore, #tpu.memory_space<semaphore_mem>>) src(%dma_wait3A_254 : memref<64xi32, #tpu.memory_space<hbm>>) dst(%arg11 : memref<64xi32, #tpu.memory_space<vmem>>)
      %dma_start3A_255 = arith.constant 1 : i32
      %dma_start3A_256 = arith.constant 0 : i32
      %dma_start3A_257 = arith.constant 0 : i32
      %dma_start3A_258 = tpu.memref_slice %arg13[%dma_start3A_255, %dma_start3A_256, %dma_start3A_257] : memref<3x64x128xf32, #tpu.memory_space<vmem>> -> memref<1x64x128xf32, #tpu.memory_space<vmem>>
      %dma_start3A_259 = tpu.memref_squeeze %dma_start3A_258 : memref<1x64x128xf32, #tpu.memory_space<vmem>> -> memref<64x128xf32, #tpu.memory_space<vmem>>
      %dma_start3A_260 = arith.constant 0 : i32
      %dma_start3A_261 = arith.constant 0 : i32
      %dma_start3A_262 = tpu.memref_slice %arg14[%dma_start3A_260, %dma_start3A_261] : memref<10112x128xf32, #tpu.memory_space<vmem_shared>> -> memref<10112x128xf32, #tpu.memory_space<vmem_shared>>
      tpu.enqueue_indirect_dma source(%dma_start3A_259 : memref<64x128xf32, #tpu.memory_space<vmem>>) target(%dma_start3A_262 : memref<10112x128xf32, #tpu.memory_space<vmem_shared>>) offsets(%arg11 : memref<64xi32, #tpu.memory_space<vmem>>) semaphore(%arg19 : memref<!tpu.dma_semaphore, #tpu.memory_space<semaphore_mem>>) {add = true}
      %dma_wait3A_263 = arith.constant 1 : i32
      %dma_wait3A_264 = arith.constant 0 : i32
      %dma_wait3A_265 = arith.constant 0 : i32
      %dma_wait3A_266 = tpu.memref_slice %arg13[%dma_wait3A_263, %dma_wait3A_264, %dma_wait3A_265] : memref<3x64x128xf32, #tpu.memory_space<vmem>> -> memref<1x64x128xf32, #tpu.memory_space<vmem>>
      %dma_wait3A_267 = tpu.memref_squeeze %dma_wait3A_266 : memref<1x64x128xf32, #tpu.memory_space<vmem>> -> memref<64x128xf32, #tpu.memory_space<vmem>>
      %dma_wait3A_268 = arith.constant 0 : i32
      %dma_wait3A_269 = arith.constant 0 : i32
      %dma_wait3A_270 = tpu.memref_slice %arg14[%dma_wait3A_268, %dma_wait3A_269] : memref<10112x128xf32, #tpu.memory_space<vmem_shared>> -> memref<10112x128xf32, #tpu.memory_space<vmem_shared>>
      tpu.wait_indirect_dma semaphore(%arg19 : memref<!tpu.dma_semaphore, #tpu.memory_space<semaphore_mem>>) src(%dma_wait3A_267 : memref<64x128xf32, #tpu.memory_space<vmem>>) dst(%dma_wait3A_270 : memref<10112x128xf32, #tpu.memory_space<vmem_shared>>)
      %add3A_271 = arith.constant 3 : i32
      %add3A_272 = arith.addi %add3A_238, %add3A_271 : i32
      %mul3A_273 = arith.constant 64 : i32
      %mul3A_274 = arith.muli %add3A_272, %mul3A_273 : i32
      %add3A_275 = arith.addi %mul3A_20, %mul3A_274 : i32
      %dma_start3A_276 = tpu.memref_slice %arg4[%add3A_275] : memref<344064xi32, #tpu.memory_space<hbm>> -> memref<64xi32, #tpu.memory_space<hbm>>
      %dma_start3A_277 = tpu.memref_slice %arg4[%add3A_275] : memref<344064xi32, #tpu.memory_space<hbm>> -> memref<64xi32, #tpu.memory_space<hbm>>
      tpu.enqueue_dma source(%dma_start3A_277 : memref<64xi32, #tpu.memory_space<hbm>>) target(%arg11 : memref<64xi32, #tpu.memory_space<vmem>>) target_semaphore(%arg22 : memref<!tpu.dma_semaphore, #tpu.memory_space<semaphore_mem>>)
      %add3A_278 = arith.constant 3 : i32
      %add3A_279 = arith.addi %add3A_238, %add3A_278 : i32
      %dma_start3A_280 = arith.constant 1 : i32
      %dma_start3A_281 = arith.constant 0 : i32
      %dma_start3A_282 = arith.constant 0 : i32
      %dma_start3A_283 = tpu.memref_slice %arg13[%dma_start3A_280, %dma_start3A_281, %dma_start3A_282] : memref<3x64x128xf32, #tpu.memory_space<vmem>> -> memref<1x64x128xf32, #tpu.memory_space<vmem>>
      %dma_start3A_284 = tpu.memref_squeeze %dma_start3A_283 : memref<1x64x128xf32, #tpu.memory_space<vmem>> -> memref<64x128xf32, #tpu.memory_space<vmem>>
      %dma_start3A_285 = arith.constant 0 : i32
      %dma_start3A_286 = tpu.memref_slice %arg9[%add3A_279, %dma_start3A_285] : memref<168x64xi32, #tpu.memory_space<vmem>> -> memref<1x64xi32, #tpu.memory_space<vmem>>
      %dma_start3A_287 = tpu.memref_squeeze %dma_start3A_286 : memref<1x64xi32, #tpu.memory_space<vmem>> -> memref<64xi32, #tpu.memory_space<vmem>>
      %dma_start3A_288 = arith.constant 0 : i32
      %dma_start3A_289 = arith.constant 0 : i32
      %dma_start3A_290 = tpu.memref_slice %arg2[%dma_start3A_288, %dma_start3A_289] : memref<10000x128xf32, #tpu.memory_space<hbm>> -> memref<10000x128xf32, #tpu.memory_space<hbm>>
      tpu.enqueue_indirect_dma source(%dma_start3A_290 : memref<10000x128xf32, #tpu.memory_space<hbm>>) target(%dma_start3A_284 : memref<64x128xf32, #tpu.memory_space<vmem>>) offsets(%dma_start3A_287 : memref<64xi32, #tpu.memory_space<vmem>>) semaphore(%arg16 : memref<!tpu.dma_semaphore, #tpu.memory_space<semaphore_mem>>)
      %add3A_291 = arith.constant 2 : i32
      %add3A_292 = arith.addi %add3A_182, %add3A_291 : i32
      %dma_wait3A_293 = arith.constant 2 : i32
      %dma_wait3A_294 = arith.constant 0 : i32
      %dma_wait3A_295 = arith.constant 0 : i32
      %dma_wait3A_296 = tpu.memref_slice %arg13[%dma_wait3A_293, %dma_wait3A_294, %dma_wait3A_295] : memref<3x64x128xf32, #tpu.memory_space<vmem>> -> memref<1x64x128xf32, #tpu.memory_space<vmem>>
      %dma_wait3A_297 = tpu.memref_squeeze %dma_wait3A_296 : memref<1x64x128xf32, #tpu.memory_space<vmem>> -> memref<64x128xf32, #tpu.memory_space<vmem>>
      %dma_wait3A_298 = arith.constant 0 : i32
      %dma_wait3A_299 = tpu.memref_slice %arg9[%add3A_292, %dma_wait3A_298] : memref<168x64xi32, #tpu.memory_space<vmem>> -> memref<1x64xi32, #tpu.memory_space<vmem>>
      %dma_wait3A_300 = tpu.memref_squeeze %dma_wait3A_299 : memref<1x64xi32, #tpu.memory_space<vmem>> -> memref<64xi32, #tpu.memory_space<vmem>>
      %dma_wait3A_301 = arith.constant 0 : i32
      %dma_wait3A_302 = arith.constant 0 : i32
      %dma_wait3A_303 = tpu.memref_slice %arg2[%dma_wait3A_301, %dma_wait3A_302] : memref<10000x128xf32, #tpu.memory_space<hbm>> -> memref<10000x128xf32, #tpu.memory_space<hbm>>
      tpu.wait_indirect_dma semaphore(%arg17 : memref<!tpu.dma_semaphore, #tpu.memory_space<semaphore_mem>>) src(%dma_wait3A_303 : memref<10000x128xf32, #tpu.memory_space<hbm>>) dst(%dma_wait3A_297 : memref<64x128xf32, #tpu.memory_space<vmem>>)
      %mul3A_304 = arith.constant 64 : i32
      %mul3A_305 = arith.muli %add3A_292, %mul3A_304 : i32
      %add3A_306 = arith.addi %mul3A_20, %mul3A_305 : i32
      %dma_wait3A_307 = tpu.memref_slice %arg4[%add3A_306] : memref<344064xi32, #tpu.memory_space<hbm>> -> memref<64xi32, #tpu.memory_space<hbm>>
      %dma_wait3A_308 = tpu.memref_slice %arg4[%add3A_306] : memref<344064xi32, #tpu.memory_space<hbm>> -> memref<64xi32, #tpu.memory_space<hbm>>
      tpu.wait_dma2 semaphore(%arg23 : memref<!tpu.dma_semaphore, #tpu.memory_space<semaphore_mem>>) src(%dma_wait3A_308 : memref<64xi32, #tpu.memory_space<hbm>>) dst(%arg12 : memref<64xi32, #tpu.memory_space<vmem>>)
      %dma_start3A_309 = arith.constant 2 : i32
      %dma_start3A_310 = arith.constant 0 : i32
      %dma_start3A_311 = arith.constant 0 : i32
      %dma_start3A_312 = tpu.memref_slice %arg13[%dma_start3A_309, %dma_start3A_310, %dma_start3A_311] : memref<3x64x128xf32, #tpu.memory_space<vmem>> -> memref<1x64x128xf32, #tpu.memory_space<vmem>>
      %dma_start3A_313 = tpu.memref_squeeze %dma_start3A_312 : memref<1x64x128xf32, #tpu.memory_space<vmem>> -> memref<64x128xf32, #tpu.memory_space<vmem>>
      %dma_start3A_314 = arith.constant 0 : i32
      %dma_start3A_315 = arith.constant 0 : i32
      %dma_start3A_316 = tpu.memref_slice %arg14[%dma_start3A_314, %dma_start3A_315] : memref<10112x128xf32, #tpu.memory_space<vmem_shared>> -> memref<10112x128xf32, #tpu.memory_space<vmem_shared>>
      tpu.enqueue_indirect_dma source(%dma_start3A_313 : memref<64x128xf32, #tpu.memory_space<vmem>>) target(%dma_start3A_316 : memref<10112x128xf32, #tpu.memory_space<vmem_shared>>) offsets(%arg12 : memref<64xi32, #tpu.memory_space<vmem>>) semaphore(%arg20 : memref<!tpu.dma_semaphore, #tpu.memory_space<semaphore_mem>>) {add = true}
      %dma_wait3A_317 = arith.constant 2 : i32
      %dma_wait3A_318 = arith.constant 0 : i32
      %dma_wait3A_319 = arith.constant 0 : i32
      %dma_wait3A_320 = tpu.memref_slice %arg13[%dma_wait3A_317, %dma_wait3A_318, %dma_wait3A_319] : memref<3x64x128xf32, #tpu.memory_space<vmem>> -> memref<1x64x128xf32, #tpu.memory_space<vmem>>
      %dma_wait3A_321 = tpu.memref_squeeze %dma_wait3A_320 : memref<1x64x128xf32, #tpu.memory_space<vmem>> -> memref<64x128xf32, #tpu.memory_space<vmem>>
      %dma_wait3A_322 = arith.constant 0 : i32
      %dma_wait3A_323 = arith.constant 0 : i32
      %dma_wait3A_324 = tpu.memref_slice %arg14[%dma_wait3A_322, %dma_wait3A_323] : memref<10112x128xf32, #tpu.memory_space<vmem_shared>> -> memref<10112x128xf32, #tpu.memory_space<vmem_shared>>
      tpu.wait_indirect_dma semaphore(%arg20 : memref<!tpu.dma_semaphore, #tpu.memory_space<semaphore_mem>>) src(%dma_wait3A_321 : memref<64x128xf32, #tpu.memory_space<vmem>>) dst(%dma_wait3A_324 : memref<10112x128xf32, #tpu.memory_space<vmem_shared>>)
      %add3A_325 = arith.constant 3 : i32
      %add3A_326 = arith.addi %add3A_292, %add3A_325 : i32
      %mul3A_327 = arith.constant 64 : i32
      %mul3A_328 = arith.muli %add3A_326, %mul3A_327 : i32
      %add3A_329 = arith.addi %mul3A_20, %mul3A_328 : i32
      %dma_start3A_330 = tpu.memref_slice %arg4[%add3A_329] : memref<344064xi32, #tpu.memory_space<hbm>> -> memref<64xi32, #tpu.memory_space<hbm>>
      %dma_start3A_331 = tpu.memref_slice %arg4[%add3A_329] : memref<344064xi32, #tpu.memory_space<hbm>> -> memref<64xi32, #tpu.memory_space<hbm>>
      tpu.enqueue_dma source(%dma_start3A_331 : memref<64xi32, #tpu.memory_space<hbm>>) target(%arg12 : memref<64xi32, #tpu.memory_space<vmem>>) target_semaphore(%arg23 : memref<!tpu.dma_semaphore, #tpu.memory_space<semaphore_mem>>)
      %add3A_332 = arith.constant 3 : i32
      %add3A_333 = arith.addi %add3A_292, %add3A_332 : i32
      %dma_start3A_334 = arith.constant 2 : i32
      %dma_start3A_335 = arith.constant 0 : i32
      %dma_start3A_336 = arith.constant 0 : i32
      %dma_start3A_337 = tpu.memref_slice %arg13[%dma_start3A_334, %dma_start3A_335, %dma_start3A_336] : memref<3x64x128xf32, #tpu.memory_space<vmem>> -> memref<1x64x128xf32, #tpu.memory_space<vmem>>
      %dma_start3A_338 = tpu.memref_squeeze %dma_start3A_337 : memref<1x64x128xf32, #tpu.memory_space<vmem>> -> memref<64x128xf32, #tpu.memory_space<vmem>>
      %dma_start3A_339 = arith.constant 0 : i32
      %dma_start3A_340 = tpu.memref_slice %arg9[%add3A_333, %dma_start3A_339] : memref<168x64xi32, #tpu.memory_space<vmem>> -> memref<1x64xi32, #tpu.memory_space<vmem>>
      %dma_start3A_341 = tpu.memref_squeeze %dma_start3A_340 : memref<1x64xi32, #tpu.memory_space<vmem>> -> memref<64xi32, #tpu.memory_space<vmem>>
      %dma_start3A_342 = arith.constant 0 : i32
      %dma_start3A_343 = arith.constant 0 : i32
      %dma_start3A_344 = tpu.memref_slice %arg2[%dma_start3A_342, %dma_start3A_343] : memref<10000x128xf32, #tpu.memory_space<hbm>> -> memref<10000x128xf32, #tpu.memory_space<hbm>>
      tpu.enqueue_indirect_dma source(%dma_start3A_344 : memref<10000x128xf32, #tpu.memory_space<hbm>>) target(%dma_start3A_338 : memref<64x128xf32, #tpu.memory_space<vmem>>) offsets(%dma_start3A_341 : memref<64xi32, #tpu.memory_space<vmem>>) semaphore(%arg17 : memref<!tpu.dma_semaphore, #tpu.memory_space<semaphore_mem>>)
    }
    %scan3A_72 = arith.constant 55 : i32
    %dma_wait3A_73 = arith.constant 165 : i32
    %dma_wait3A_74 = arith.constant 0 : i32
    %dma_wait3A_75 = arith.constant 0 : i32
    %dma_wait3A_76 = arith.constant 0 : i32
    %dma_wait3A_77 = tpu.memref_slice %arg13[%dma_wait3A_74, %dma_wait3A_75, %dma_wait3A_76] : memref<3x64x128xf32, #tpu.memory_space<vmem>> -> memref<1x64x128xf32, #tpu.memory_space<vmem>>
    %dma_wait3A_78 = tpu.memref_squeeze %dma_wait3A_77 : memref<1x64x128xf32, #tpu.memory_space<vmem>> -> memref<64x128xf32, #tpu.memory_space<vmem>>
    %dma_wait3A_79 = arith.constant 0 : i32
    %dma_wait3A_80 = tpu.memref_slice %arg9[%dma_wait3A_73, %dma_wait3A_79] : memref<168x64xi32, #tpu.memory_space<vmem>> -> memref<1x64xi32, #tpu.memory_space<vmem>>
    %dma_wait3A_81 = tpu.memref_squeeze %dma_wait3A_80 : memref<1x64xi32, #tpu.memory_space<vmem>> -> memref<64xi32, #tpu.memory_space<vmem>>
    %dma_wait3A_82 = arith.constant 0 : i32
    %dma_wait3A_83 = arith.constant 0 : i32
    %dma_wait3A_84 = tpu.memref_slice %arg2[%dma_wait3A_82, %dma_wait3A_83] : memref<10000x128xf32, #tpu.memory_space<hbm>> -> memref<10000x128xf32, #tpu.memory_space<hbm>>
    tpu.wait_indirect_dma semaphore(%arg15 : memref<!tpu.dma_semaphore, #tpu.memory_space<semaphore_mem>>) src(%dma_wait3A_84 : memref<10000x128xf32, #tpu.memory_space<hbm>>) dst(%dma_wait3A_78 : memref<64x128xf32, #tpu.memory_space<vmem>>)
    %add3A_85 = arith.constant 10560 : i32
    %add3A_86 = arith.addi %mul3A_20, %add3A_85 : i32
    %dma_wait3A_87 = tpu.memref_slice %arg4[%add3A_86] : memref<344064xi32, #tpu.memory_space<hbm>> -> memref<64xi32, #tpu.memory_space<hbm>>
    %dma_wait3A_88 = tpu.memref_slice %arg4[%add3A_86] : memref<344064xi32, #tpu.memory_space<hbm>> -> memref<64xi32, #tpu.memory_space<hbm>>
    tpu.wait_dma2 semaphore(%arg21 : memref<!tpu.dma_semaphore, #tpu.memory_space<semaphore_mem>>) src(%dma_wait3A_88 : memref<64xi32, #tpu.memory_space<hbm>>) dst(%arg10 : memref<64xi32, #tpu.memory_space<vmem>>)
    %dma_start3A_89 = arith.constant 0 : i32
    %dma_start3A_90 = arith.constant 0 : i32
    %dma_start3A_91 = arith.constant 0 : i32
    %dma_start3A_92 = tpu.memref_slice %arg13[%dma_start3A_89, %dma_start3A_90, %dma_start3A_91] : memref<3x64x128xf32, #tpu.memory_space<vmem>> -> memref<1x64x128xf32, #tpu.memory_space<vmem>>
    %dma_start3A_93 = tpu.memref_squeeze %dma_start3A_92 : memref<1x64x128xf32, #tpu.memory_space<vmem>> -> memref<64x128xf32, #tpu.memory_space<vmem>>
    %dma_start3A_94 = arith.constant 0 : i32
    %dma_start3A_95 = arith.constant 0 : i32
    %dma_start3A_96 = tpu.memref_slice %arg14[%dma_start3A_94, %dma_start3A_95] : memref<10112x128xf32, #tpu.memory_space<vmem_shared>> -> memref<10112x128xf32, #tpu.memory_space<vmem_shared>>
    tpu.enqueue_indirect_dma source(%dma_start3A_93 : memref<64x128xf32, #tpu.memory_space<vmem>>) target(%dma_start3A_96 : memref<10112x128xf32, #tpu.memory_space<vmem_shared>>) offsets(%arg10 : memref<64xi32, #tpu.memory_space<vmem>>) semaphore(%arg18 : memref<!tpu.dma_semaphore, #tpu.memory_space<semaphore_mem>>) {add = true}
    %dma_wait3A_97 = arith.constant 0 : i32
    %dma_wait3A_98 = arith.constant 0 : i32
    %dma_wait3A_99 = arith.constant 0 : i32
    %dma_wait3A_100 = tpu.memref_slice %arg13[%dma_wait3A_97, %dma_wait3A_98, %dma_wait3A_99] : memref<3x64x128xf32, #tpu.memory_space<vmem>> -> memref<1x64x128xf32, #tpu.memory_space<vmem>>
    %dma_wait3A_101 = tpu.memref_squeeze %dma_wait3A_100 : memref<1x64x128xf32, #tpu.memory_space<vmem>> -> memref<64x128xf32, #tpu.memory_space<vmem>>
    %dma_wait3A_102 = arith.constant 0 : i32
    %dma_wait3A_103 = arith.constant 0 : i32
    %dma_wait3A_104 = tpu.memref_slice %arg14[%dma_wait3A_102, %dma_wait3A_103] : memref<10112x128xf32, #tpu.memory_space<vmem_shared>> -> memref<10112x128xf32, #tpu.memory_space<vmem_shared>>
    tpu.wait_indirect_dma semaphore(%arg18 : memref<!tpu.dma_semaphore, #tpu.memory_space<semaphore_mem>>) src(%dma_wait3A_101 : memref<64x128xf32, #tpu.memory_space<vmem>>) dst(%dma_wait3A_104 : memref<10112x128xf32, #tpu.memory_space<vmem_shared>>)
    %dma_wait3A_105 = arith.constant 166 : i32
    %dma_wait3A_106 = arith.constant 1 : i32
    %dma_wait3A_107 = arith.constant 0 : i32
    %dma_wait3A_108 = arith.constant 0 : i32
    %dma_wait3A_109 = tpu.memref_slice %arg13[%dma_wait3A_106, %dma_wait3A_107, %dma_wait3A_108] : memref<3x64x128xf32, #tpu.memory_space<vmem>> -> memref<1x64x128xf32, #tpu.memory_space<vmem>>
    %dma_wait3A_110 = tpu.memref_squeeze %dma_wait3A_109 : memref<1x64x128xf32, #tpu.memory_space<vmem>> -> memref<64x128xf32, #tpu.memory_space<vmem>>
    %dma_wait3A_111 = arith.constant 0 : i32
    %dma_wait3A_112 = tpu.memref_slice %arg9[%dma_wait3A_105, %dma_wait3A_111] : memref<168x64xi32, #tpu.memory_space<vmem>> -> memref<1x64xi32, #tpu.memory_space<vmem>>
    %dma_wait3A_113 = tpu.memref_squeeze %dma_wait3A_112 : memref<1x64xi32, #tpu.memory_space<vmem>> -> memref<64xi32, #tpu.memory_space<vmem>>
    %dma_wait3A_114 = arith.constant 0 : i32
    %dma_wait3A_115 = arith.constant 0 : i32
    %dma_wait3A_116 = tpu.memref_slice %arg2[%dma_wait3A_114, %dma_wait3A_115] : memref<10000x128xf32, #tpu.memory_space<hbm>> -> memref<10000x128xf32, #tpu.memory_space<hbm>>
    tpu.wait_indirect_dma semaphore(%arg16 : memref<!tpu.dma_semaphore, #tpu.memory_space<semaphore_mem>>) src(%dma_wait3A_116 : memref<10000x128xf32, #tpu.memory_space<hbm>>) dst(%dma_wait3A_110 : memref<64x128xf32, #tpu.memory_space<vmem>>)
    %add3A_117 = arith.constant 10624 : i32
    %add3A_118 = arith.addi %mul3A_20, %add3A_117 : i32
    %dma_wait3A_119 = tpu.memref_slice %arg4[%add3A_118] : memref<344064xi32, #tpu.memory_space<hbm>> -> memref<64xi32, #tpu.memory_space<hbm>>
    %dma_wait3A_120 = tpu.memref_slice %arg4[%add3A_118] : memref<344064xi32, #tpu.memory_space<hbm>> -> memref<64xi32, #tpu.memory_space<hbm>>
    tpu.wait_dma2 semaphore(%arg22 : memref<!tpu.dma_semaphore, #tpu.memory_space<semaphore_mem>>) src(%dma_wait3A_120 : memref<64xi32, #tpu.memory_space<hbm>>) dst(%arg11 : memref<64xi32, #tpu.memory_space<vmem>>)
    %dma_start3A_121 = arith.constant 1 : i32
    %dma_start3A_122 = arith.constant 0 : i32
    %dma_start3A_123 = arith.constant 0 : i32
    %dma_start3A_124 = tpu.memref_slice %arg13[%dma_start3A_121, %dma_start3A_122, %dma_start3A_123] : memref<3x64x128xf32, #tpu.memory_space<vmem>> -> memref<1x64x128xf32, #tpu.memory_space<vmem>>
    %dma_start3A_125 = tpu.memref_squeeze %dma_start3A_124 : memref<1x64x128xf32, #tpu.memory_space<vmem>> -> memref<64x128xf32, #tpu.memory_space<vmem>>
    %dma_start3A_126 = arith.constant 0 : i32
    %dma_start3A_127 = arith.constant 0 : i32
    %dma_start3A_128 = tpu.memref_slice %arg14[%dma_start3A_126, %dma_start3A_127] : memref<10112x128xf32, #tpu.memory_space<vmem_shared>> -> memref<10112x128xf32, #tpu.memory_space<vmem_shared>>
    tpu.enqueue_indirect_dma source(%dma_start3A_125 : memref<64x128xf32, #tpu.memory_space<vmem>>) target(%dma_start3A_128 : memref<10112x128xf32, #tpu.memory_space<vmem_shared>>) offsets(%arg11 : memref<64xi32, #tpu.memory_space<vmem>>) semaphore(%arg19 : memref<!tpu.dma_semaphore, #tpu.memory_space<semaphore_mem>>) {add = true}
    %dma_wait3A_129 = arith.constant 1 : i32
    %dma_wait3A_130 = arith.constant 0 : i32
    %dma_wait3A_131 = arith.constant 0 : i32
    %dma_wait3A_132 = tpu.memref_slice %arg13[%dma_wait3A_129, %dma_wait3A_130, %dma_wait3A_131] : memref<3x64x128xf32, #tpu.memory_space<vmem>> -> memref<1x64x128xf32, #tpu.memory_space<vmem>>
    %dma_wait3A_133 = tpu.memref_squeeze %dma_wait3A_132 : memref<1x64x128xf32, #tpu.memory_space<vmem>> -> memref<64x128xf32, #tpu.memory_space<vmem>>
    %dma_wait3A_134 = arith.constant 0 : i32
    %dma_wait3A_135 = arith.constant 0 : i32
    %dma_wait3A_136 = tpu.memref_slice %arg14[%dma_wait3A_134, %dma_wait3A_135] : memref<10112x128xf32, #tpu.memory_space<vmem_shared>> -> memref<10112x128xf32, #tpu.memory_space<vmem_shared>>
    tpu.wait_indirect_dma semaphore(%arg19 : memref<!tpu.dma_semaphore, #tpu.memory_space<semaphore_mem>>) src(%dma_wait3A_133 : memref<64x128xf32, #tpu.memory_space<vmem>>) dst(%dma_wait3A_136 : memref<10112x128xf32, #tpu.memory_space<vmem_shared>>)
    %dma_wait3A_137 = arith.constant 167 : i32
    %dma_wait3A_138 = arith.constant 2 : i32
    %dma_wait3A_139 = arith.constant 0 : i32
    %dma_wait3A_140 = arith.constant 0 : i32
    %dma_wait3A_141 = tpu.memref_slice %arg13[%dma_wait3A_138, %dma_wait3A_139, %dma_wait3A_140] : memref<3x64x128xf32, #tpu.memory_space<vmem>> -> memref<1x64x128xf32, #tpu.memory_space<vmem>>
    %dma_wait3A_142 = tpu.memref_squeeze %dma_wait3A_141 : memref<1x64x128xf32, #tpu.memory_space<vmem>> -> memref<64x128xf32, #tpu.memory_space<vmem>>
    %dma_wait3A_143 = arith.constant 0 : i32
    %dma_wait3A_144 = tpu.memref_slice %arg9[%dma_wait3A_137, %dma_wait3A_143] : memref<168x64xi32, #tpu.memory_space<vmem>> -> memref<1x64xi32, #tpu.memory_space<vmem>>
    %dma_wait3A_145 = tpu.memref_squeeze %dma_wait3A_144 : memref<1x64xi32, #tpu.memory_space<vmem>> -> memref<64xi32, #tpu.memory_space<vmem>>
    %dma_wait3A_146 = arith.constant 0 : i32
    %dma_wait3A_147 = arith.constant 0 : i32
    %dma_wait3A_148 = tpu.memref_slice %arg2[%dma_wait3A_146, %dma_wait3A_147] : memref<10000x128xf32, #tpu.memory_space<hbm>> -> memref<10000x128xf32, #tpu.memory_space<hbm>>
    tpu.wait_indirect_dma semaphore(%arg17 : memref<!tpu.dma_semaphore, #tpu.memory_space<semaphore_mem>>) src(%dma_wait3A_148 : memref<10000x128xf32, #tpu.memory_space<hbm>>) dst(%dma_wait3A_142 : memref<64x128xf32, #tpu.memory_space<vmem>>)
    %add3A_149 = arith.constant 10688 : i32
    %add3A_150 = arith.addi %mul3A_20, %add3A_149 : i32
    %dma_wait3A_151 = tpu.memref_slice %arg4[%add3A_150] : memref<344064xi32, #tpu.memory_space<hbm>> -> memref<64xi32, #tpu.memory_space<hbm>>
    %dma_wait3A_152 = tpu.memref_slice %arg4[%add3A_150] : memref<344064xi32, #tpu.memory_space<hbm>> -> memref<64xi32, #tpu.memory_space<hbm>>
    tpu.wait_dma2 semaphore(%arg23 : memref<!tpu.dma_semaphore, #tpu.memory_space<semaphore_mem>>) src(%dma_wait3A_152 : memref<64xi32, #tpu.memory_space<hbm>>) dst(%arg12 : memref<64xi32, #tpu.memory_space<vmem>>)
    %dma_start3A_153 = arith.constant 2 : i32
    %dma_start3A_154 = arith.constant 0 : i32
    %dma_start3A_155 = arith.constant 0 : i32
    %dma_start3A_156 = tpu.memref_slice %arg13[%dma_start3A_153, %dma_start3A_154, %dma_start3A_155] : memref<3x64x128xf32, #tpu.memory_space<vmem>> -> memref<1x64x128xf32, #tpu.memory_space<vmem>>
    %dma_start3A_157 = tpu.memref_squeeze %dma_start3A_156 : memref<1x64x128xf32, #tpu.memory_space<vmem>> -> memref<64x128xf32, #tpu.memory_space<vmem>>
    %dma_start3A_158 = arith.constant 0 : i32
    %dma_start3A_159 = arith.constant 0 : i32
    %dma_start3A_160 = tpu.memref_slice %arg14[%dma_start3A_158, %dma_start3A_159] : memref<10112x128xf32, #tpu.memory_space<vmem_shared>> -> memref<10112x128xf32, #tpu.memory_space<vmem_shared>>
    tpu.enqueue_indirect_dma source(%dma_start3A_157 : memref<64x128xf32, #tpu.memory_space<vmem>>) target(%dma_start3A_160 : memref<10112x128xf32, #tpu.memory_space<vmem_shared>>) offsets(%arg12 : memref<64xi32, #tpu.memory_space<vmem>>) semaphore(%arg20 : memref<!tpu.dma_semaphore, #tpu.memory_space<semaphore_mem>>) {add = true}
    %dma_wait3A_161 = arith.constant 2 : i32
    %dma_wait3A_162 = arith.constant 0 : i32
    %dma_wait3A_163 = arith.constant 0 : i32
    %dma_wait3A_164 = tpu.memref_slice %arg13[%dma_wait3A_161, %dma_wait3A_162, %dma_wait3A_163] : memref<3x64x128xf32, #tpu.memory_space<vmem>> -> memref<1x64x128xf32, #tpu.memory_space<vmem>>
    %dma_wait3A_165 = tpu.memref_squeeze %dma_wait3A_164 : memref<1x64x128xf32, #tpu.memory_space<vmem>> -> memref<64x128xf32, #tpu.memory_space<vmem>>
    %dma_wait3A_166 = arith.constant 0 : i32
    %dma_wait3A_167 = arith.constant 0 : i32
    %dma_wait3A_168 = tpu.memref_slice %arg14[%dma_wait3A_166, %dma_wait3A_167] : memref<10112x128xf32, #tpu.memory_space<vmem_shared>> -> memref<10112x128xf32, #tpu.memory_space<vmem_shared>>
    tpu.wait_indirect_dma semaphore(%arg20 : memref<!tpu.dma_semaphore, #tpu.memory_space<semaphore_mem>>) src(%dma_wait3A_165 : memref<64x128xf32, #tpu.memory_space<vmem>>) dst(%dma_wait3A_168 : memref<10112x128xf32, #tpu.memory_space<vmem_shared>>)
    %barrier3A_169 = arith.constant 0 : index
    tpu.barrier barrier_id(%barrier3A_169)
    %mul3A_170 = arith.constant 632 : i32
    %mul3A_171 = arith.muli %arg1, %mul3A_170 : i32
    %lt3A = arith.constant 15 : i32
    %lt3A_172 = arith.cmpi slt, %arg1, %lt3A : i32
    %convert_element_type3A = arith.extui %lt3A_172 : i1 to i32
    %cond3A = arith.constant 0 : i32
    %cond3A_173 = arith.cmpi ne, %convert_element_type3A, %cond3A : i32
    scf.if %cond3A_173 {
      "tpu.region"() ({
        %run_scoped3A = tpu.sem_alloc : memref<!tpu.dma_semaphore, #tpu.memory_space<semaphore_mem>>
        %dma_start3A_178 = arith.constant 0 : i32
        %dma_start3A_179 = arith.constant 0 : i32
        %dma_start3A_180 = tpu.memref_slice %arg8[%arg0, %dma_start3A_178, %dma_start3A_179] : memref<2x10000x128xf32, #tpu.memory_space<hbm>> -> memref<1x10000x128xf32, #tpu.memory_space<hbm>>
        %dma_start3A_181 = tpu.memref_squeeze %dma_start3A_180 : memref<1x10000x128xf32, #tpu.memory_space<hbm>> -> memref<10000x128xf32, #tpu.memory_space<hbm>>
        %dma_start3A_182 = arith.constant 0 : i32
        %dma_start3A_183 = tpu.memref_slice %dma_start3A_181[%mul3A_171, %dma_start3A_182] : memref<10000x128xf32, #tpu.memory_space<hbm>> -> memref<632x128xf32, #tpu.memory_space<hbm>>
        %dma_start3A_184 = arith.constant 0 : i32
        %dma_start3A_185 = tpu.memref_slice %arg14[%mul3A_171, %dma_start3A_184] : memref<10112x128xf32, #tpu.memory_space<vmem_shared>> -> memref<632x128xf32, #tpu.memory_space<vmem_shared>>
        tpu.enqueue_dma source(%dma_start3A_185 : memref<632x128xf32, #tpu.memory_space<vmem_shared>>) target(%dma_start3A_183 : memref<632x128xf32, #tpu.memory_space<hbm>>) target_semaphore(%run_scoped3A : memref<!tpu.dma_semaphore, #tpu.memory_space<semaphore_mem>>)
        %dma_wait3A_186 = arith.constant 0 : i32
        %dma_wait3A_187 = arith.constant 0 : i32
        %dma_wait3A_188 = tpu.memref_slice %arg8[%arg0, %dma_wait3A_186, %dma_wait3A_187] : memref<2x10000x128xf32, #tpu.memory_space<hbm>> -> memref<1x10000x128xf32, #tpu.memory_space<hbm>>
        %dma_wait3A_189 = tpu.memref_squeeze %dma_wait3A_188 : memref<1x10000x128xf32, #tpu.memory_space<hbm>> -> memref<10000x128xf32, #tpu.memory_space<hbm>>
        %dma_wait3A_190 = arith.constant 0 : i32
        %dma_wait3A_191 = tpu.memref_slice %dma_wait3A_189[%mul3A_171, %dma_wait3A_190] : memref<10000x128xf32, #tpu.memory_space<hbm>> -> memref<632x128xf32, #tpu.memory_space<hbm>>
        %dma_wait3A_192 = arith.constant 0 : i32
        %dma_wait3A_193 = tpu.memref_slice %arg14[%mul3A_171, %dma_wait3A_192] : memref<10112x128xf32, #tpu.memory_space<vmem_shared>> -> memref<632x128xf32, #tpu.memory_space<vmem_shared>>
        tpu.wait_dma2 semaphore(%run_scoped3A : memref<!tpu.dma_semaphore, #tpu.memory_space<semaphore_mem>>) src(%dma_wait3A_193 : memref<632x128xf32, #tpu.memory_space<vmem_shared>>) dst(%dma_wait3A_191 : memref<632x128xf32, #tpu.memory_space<hbm>>)
        tpu.yield
      }) : () -> ()
    } else {
    }
    %eq3A = arith.constant 15 : i32
    %eq3A_174 = arith.cmpi eq, %arg1, %eq3A : i32
    %convert_element_type3A_175 = arith.extui %eq3A_174 : i1 to i32
    %cond3A_176 = arith.constant 0 : i32
    %cond3A_177 = arith.cmpi ne, %convert_element_type3A_175, %cond3A_176 : i32
    scf.if %cond3A_177 {
      "tpu.region"() ({
        %run_scoped3A = tpu.sem_alloc : memref<!tpu.dma_semaphore, #tpu.memory_space<semaphore_mem>>
        %dma_start3A_178 = arith.constant 0 : i32
        %dma_start3A_179 = arith.constant 0 : i32
        %dma_start3A_180 = tpu.memref_slice %arg8[%arg0, %dma_start3A_178, %dma_start3A_179] : memref<2x10000x128xf32, #tpu.memory_space<hbm>> -> memref<1x10000x128xf32, #tpu.memory_space<hbm>>
        %dma_start3A_181 = tpu.memref_squeeze %dma_start3A_180 : memref<1x10000x128xf32, #tpu.memory_space<hbm>> -> memref<10000x128xf32, #tpu.memory_space<hbm>>
        %dma_start3A_182 = arith.constant 9480 : i32
        %dma_start3A_183 = arith.constant 0 : i32
        %dma_start3A_184 = tpu.memref_slice %dma_start3A_181[%dma_start3A_182, %dma_start3A_183] : memref<10000x128xf32, #tpu.memory_space<hbm>> -> memref<520x128xf32, #tpu.memory_space<hbm>>
        %dma_start3A_185 = arith.constant 9480 : i32
        %dma_start3A_186 = arith.constant 0 : i32
        %dma_start3A_187 = tpu.memref_slice %arg14[%dma_start3A_185, %dma_start3A_186] : memref<10112x128xf32, #tpu.memory_space<vmem_shared>> -> memref<520x128xf32, #tpu.memory_space<vmem_shared>>
        tpu.enqueue_dma source(%dma_start3A_187 : memref<520x128xf32, #tpu.memory_space<vmem_shared>>) target(%dma_start3A_184 : memref<520x128xf32, #tpu.memory_space<hbm>>) target_semaphore(%run_scoped3A : memref<!tpu.dma_semaphore, #tpu.memory_space<semaphore_mem>>)
        %dma_wait3A_188 = arith.constant 0 : i32
        %dma_wait3A_189 = arith.constant 0 : i32
        %dma_wait3A_190 = tpu.memref_slice %arg8[%arg0, %dma_wait3A_188, %dma_wait3A_189] : memref<2x10000x128xf32, #tpu.memory_space<hbm>> -> memref<1x10000x128xf32, #tpu.memory_space<hbm>>
        %dma_wait3A_191 = tpu.memref_squeeze %dma_wait3A_190 : memref<1x10000x128xf32, #tpu.memory_space<hbm>> -> memref<10000x128xf32, #tpu.memory_space<hbm>>
        %dma_wait3A_192 = arith.constant 9480 : i32
        %dma_wait3A_193 = arith.constant 0 : i32
        %dma_wait3A_194 = tpu.memref_slice %dma_wait3A_191[%dma_wait3A_192, %dma_wait3A_193] : memref<10000x128xf32, #tpu.memory_space<hbm>> -> memref<520x128xf32, #tpu.memory_space<hbm>>
        %dma_wait3A_195 = arith.constant 9480 : i32
        %dma_wait3A_196 = arith.constant 0 : i32
        %dma_wait3A_197 = tpu.memref_slice %arg14[%dma_wait3A_195, %dma_wait3A_196] : memref<10112x128xf32, #tpu.memory_space<vmem_shared>> -> memref<520x128xf32, #tpu.memory_space<vmem_shared>>
        tpu.wait_dma2 semaphore(%run_scoped3A : memref<!tpu.dma_semaphore, #tpu.memory_space<semaphore_mem>>) src(%dma_wait3A_197 : memref<520x128xf32, #tpu.memory_space<vmem_shared>>) dst(%dma_wait3A_194 : memref<520x128xf32, #tpu.memory_space<hbm>>)
        tpu.yield
      }) : () -> ()
    } else {
    }
    return
  }
}

module attributes {stable_mosaic.version = 14 : i64} {
  func.func @_matmul_body(%arg0: i32, %arg1: memref<1000x128xf32, #tpu.memory_space<vmem>>, %arg2: memref<128x128xf32, #tpu.memory_space<vmem>>, %arg3: memref<1000x128xf32, #tpu.memory_space<vmem>>) attributes {dimension_semantics = [#tpu.dimension_semantics<arbitrary>], iteration_bounds = array<i64: 10>, scalar_prefetch = 0 : i64, scratch_operands = 0 : i64, tpu.core_type = #tpu.core_type<tc>, window_params = [{transform_indices = @transform_0, window_bounds = array<i64: 1000, 128>}, {pipeline_mode = #tpu.pipeline_mode<synchronous>, transform_indices = @transform_1, window_bounds = array<i64: 128, 128>}, {transform_indices = @transform_2, window_bounds = array<i64: 1000, 128>}]} {
    %get3A = arith.constant 0 : index
    %get3A_0 = arith.constant 0 : index
    %get3A_1 = vector.load %arg1[%get3A, %get3A_0] : memref<1000x128xf32, #tpu.memory_space<vmem>>, vector<1000x128xf32>
    %get3A_2 = arith.constant 0 : index
    %get3A_3 = arith.constant 0 : index
    %get3A_4 = vector.load %arg2[%get3A_2, %get3A_3] : memref<128x128xf32, #tpu.memory_space<vmem>>, vector<128x128xf32>
    %dot_general3A = arith.constant dense<0.000000e+00> : vector<1000x128xf32>
    %dot_general3A_5 = tpu.matmul %get3A_1, %get3A_4, %dot_general3A {dimension_numbers = #tpu.dot_dimension_numbers<[1], [0], [0], [1], [0, 0, 1, 1], [], []>, transpose_lhs_hint = false} : vector<1000x128xf32>, vector<128x128xf32>, vector<1000x128xf32> -> vector<1000x128xf32>
    %swap3A = arith.constant 0 : index
    %swap3A_6 = arith.constant 0 : index
    %swap3A_7 = vector.load %arg3[%swap3A, %swap3A_6] : memref<1000x128xf32, #tpu.memory_space<vmem>>, vector<1000x128xf32>
    tpu.vector_store %arg3[%swap3A, %swap3A_6], %dot_general3A_5 {strides = array<i32>} : memref<1000x128xf32, #tpu.memory_space<vmem>>, vector<1000x128xf32>,
    return
  }
  func.func @transform_0(%arg0: i32) -> (i32, i32) {
    %c0_i32 = arith.constant 0 : i32
    %c0_i32_0 = arith.constant 0 : i32
    return %arg0, %c0_i32 : i32, i32
  }
  func.func @transform_1(%arg0: i32) -> (i32, i32) {
    %c0_i32 = arith.constant 0 : i32
    %c0_i32_0 = arith.constant 0 : i32
    %c0_i32_1 = arith.constant 0 : i32
    return %c0_i32, %c0_i32_0 : i32, i32
  }
  func.func @transform_2(%arg0: i32) -> (i32, i32) {
    %c0_i32 = arith.constant 0 : i32
    %c0_i32_0 = arith.constant 0 : i32
    return %arg0, %c0_i32 : i32, i32
  }
}

module attributes {stable_mosaic.version = 14 : i64} {
  func.func @_matmul_bias_body(%arg0: i32, %arg1: memref<1000x128xf32, #tpu.memory_space<vmem>>, %arg2: memref<128x128xf32, #tpu.memory_space<vmem>>, %arg3: memref<1x128xf32, #tpu.memory_space<vmem>>, %arg4: memref<1000x128xf32, #tpu.memory_space<vmem>>) attributes {dimension_semantics = [#tpu.dimension_semantics<arbitrary>], iteration_bounds = array<i64: 10>, scalar_prefetch = 0 : i64, scratch_operands = 0 : i64, tpu.core_type = #tpu.core_type<tc>, window_params = [{transform_indices = @transform_0, window_bounds = array<i64: 1000, 128>}, {pipeline_mode = #tpu.pipeline_mode<synchronous>, transform_indices = @transform_1, window_bounds = array<i64: 128, 128>}, {pipeline_mode = #tpu.pipeline_mode<synchronous>, transform_indices = @transform_2, window_bounds = array<i64: 1, 128>}, {transform_indices = @transform_3, window_bounds = array<i64: 1000, 128>}]} {
    %get3A = arith.constant 0 : index
    %get3A_0 = arith.constant 0 : index
    %get3A_1 = vector.load %arg1[%get3A, %get3A_0] : memref<1000x128xf32, #tpu.memory_space<vmem>>, vector<1000x128xf32>
    %get3A_2 = arith.constant 0 : index
    %get3A_3 = arith.constant 0 : index
    %get3A_4 = vector.load %arg2[%get3A_2, %get3A_3] : memref<128x128xf32, #tpu.memory_space<vmem>>, vector<128x128xf32>
    %dot_general3A = arith.constant dense<0.000000e+00> : vector<1000x128xf32>
    %dot_general3A_5 = tpu.matmul %get3A_1, %get3A_4, %dot_general3A {dimension_numbers = #tpu.dot_dimension_numbers<[1], [0], [0], [1], [0, 0, 1, 1], [], []>, precision = #tpu.contract_precision<fp32>, transpose_lhs_hint = false} : vector<1000x128xf32>, vector<128x128xf32>, vector<1000x128xf32> -> vector<1000x128xf32>
    %get3A_6 = arith.constant 0 : index
    %get3A_7 = arith.constant 0 : index
    %get3A_8 = vector.load %arg3[%get3A_6, %get3A_7] : memref<1x128xf32, #tpu.memory_space<vmem>>, vector<1x128xf32>
    %add3A = vector.broadcast %get3A_8 : vector<1x128xf32> to vector<1000x128xf32>
    %add3A_9 = arith.addf %dot_general3A_5, %add3A : vector<1000x128xf32>
    %swap3A = arith.constant 0 : index
    %swap3A_10 = arith.constant 0 : index
    %swap3A_11 = vector.load %arg4[%swap3A, %swap3A_10] : memref<1000x128xf32, #tpu.memory_space<vmem>>, vector<1000x128xf32>
    tpu.vector_store %arg4[%swap3A, %swap3A_10], %add3A_9 {strides = array<i32>} : memref<1000x128xf32, #tpu.memory_space<vmem>>, vector<1000x128xf32>,
    return
  }
  func.func @transform_0(%arg0: i32) -> (i32, i32) {
    %c0_i32 = arith.constant 0 : i32
    %c0_i32_0 = arith.constant 0 : i32
    return %arg0, %c0_i32 : i32, i32
  }
  func.func @transform_1(%arg0: i32) -> (i32, i32) {
    %c0_i32 = arith.constant 0 : i32
    %c0_i32_0 = arith.constant 0 : i32
    %c0_i32_1 = arith.constant 0 : i32
    return %c0_i32, %c0_i32_0 : i32, i32
  }
  func.func @transform_2(%arg0: i32) -> (i32, i32) {
    %c0_i32 = arith.constant 0 : i32
    %c0_i32_0 = arith.constant 0 : i32
    %c0_i32_1 = arith.constant 0 : i32
    return %c0_i32, %c0_i32_0 : i32, i32
  }
  func.func @transform_3(%arg0: i32) -> (i32, i32) {
    %c0_i32 = arith.constant 0 : i32
    %c0_i32_0 = arith.constant 0 : i32
    return %arg0, %c0_i32 : i32, i32
  }
}

module attributes {stable_mosaic.version = 14 : i64} {
  func.func @_tc2_body(%arg0: i32, %arg1: memref<1000x128xf32, #tpu.memory_space<vmem>>, %arg2: memref<1000x128xf32, #tpu.memory_space<vmem>>, %arg3: memref<1000x1xf32, #tpu.memory_space<vmem>>, %arg4: memref<1000x1xf32, #tpu.memory_space<vmem>>, %arg5: memref<1000x128xf32, #tpu.memory_space<vmem>>, %arg6: memref<1x128xf32, #tpu.memory_space<vmem>>, %arg7: memref<1x128xf32, #tpu.memory_space<vmem>>, %arg8: memref<128x128xf32, #tpu.memory_space<vmem>>, %arg9: memref<1000x128xf32, #tpu.memory_space<vmem>>, %arg10: memref<1000x128xf32, #tpu.memory_space<vmem>>) attributes {dimension_semantics = [#tpu.dimension_semantics<arbitrary>], iteration_bounds = array<i64: 10>, scalar_prefetch = 0 : i64, scratch_operands = 0 : i64, tpu.core_type = #tpu.core_type<tc>, window_params = [{transform_indices = @transform_0, window_bounds = array<i64: 1000, 128>}, {transform_indices = @transform_1, window_bounds = array<i64: 1000, 128>}, {transform_indices = @transform_2, window_bounds = array<i64: 1000, 1>}, {transform_indices = @transform_3, window_bounds = array<i64: 1000, 1>}, {transform_indices = @transform_4, window_bounds = array<i64: 1000, 128>}, {pipeline_mode = #tpu.pipeline_mode<synchronous>, transform_indices = @transform_5, window_bounds = array<i64: 1, 128>}, {pipeline_mode = #tpu.pipeline_mode<synchronous>, transform_indices = @transform_6, window_bounds = array<i64: 1, 128>}, {pipeline_mode = #tpu.pipeline_mode<synchronous>, transform_indices = @transform_7, window_bounds = array<i64: 128, 128>}, {transform_indices = @transform_8, window_bounds = array<i64: 1000, 128>}, {transform_indices = @transform_9, window_bounds = array<i64: 1000, 128>}]} {
    %get3A = arith.constant 0 : index
    %get3A_0 = arith.constant 0 : index
    %get3A_1 = vector.load %arg1[%get3A, %get3A_0] : memref<1000x128xf32, #tpu.memory_space<vmem>>, vector<1000x128xf32>
    %get3A_2 = arith.constant 0 : index
    %get3A_3 = arith.constant 0 : index
    %get3A_4 = vector.load %arg2[%get3A_2, %get3A_3] : memref<1000x128xf32, #tpu.memory_space<vmem>>, vector<1000x128xf32>
    %add3A = arith.addf %get3A_1, %get3A_4 : vector<1000x128xf32>
    %get3A_5 = arith.constant 0 : index
    %get3A_6 = arith.constant 0 : index
    %get3A_7 = vector.load %arg3[%get3A_5, %get3A_6] : memref<1000x1xf32, #tpu.memory_space<vmem>>, vector<1000x1xf32>
    %get3A_8 = arith.constant 0 : index
    %get3A_9 = arith.constant 0 : index
    %get3A_10 = vector.load %arg4[%get3A_8, %get3A_9] : memref<1000x1xf32, #tpu.memory_space<vmem>>, vector<1000x1xf32>
    %add3A_11 = arith.addf %get3A_7, %get3A_10 : vector<1000x1xf32>
    %max3A = arith.constant 1.000000e+00 : f32
    %max3A_12 = vector.broadcast %max3A : f32 to vector<1000x1xf32>
    %max3A_13 = arith.maximumf %add3A_11, %max3A_12 : vector<1000x1xf32>
    %div3A = arith.constant 1.000000e+00 : f32
    %div3A_14 = vector.broadcast %div3A : f32 to vector<1000x1xf32>
    %div3A_15 = arith.divf %div3A_14, %max3A_13 : vector<1000x1xf32>
    %mul3A = vector.broadcast %div3A_15 : vector<1000x1xf32> to vector<1000x128xf32>
    %mul3A_16 = arith.mulf %add3A, %mul3A : vector<1000x128xf32>
    %get3A_17 = arith.constant 0 : index
    %get3A_18 = arith.constant 0 : index
    %get3A_19 = vector.load %arg5[%get3A_17, %get3A_18] : memref<1000x128xf32, #tpu.memory_space<vmem>>, vector<1000x128xf32>
    %add3A_20 = arith.addf %mul3A_16, %get3A_19 : vector<1000x128xf32>
    %reduce_sum3A = arith.constant dense<0.000000e+00> : vector<1000xf32>
    %reduce_sum3A_21 = vector.multi_reduction <add>, %add3A_20, %reduce_sum3A [1] : vector<1000x128xf32> to vector<1000xf32>
    %broadcast_in_dim3A = vector.shape_cast %reduce_sum3A_21 : vector<1000xf32> to vector<1000x1xf32>
    %div3A_22 = arith.constant 1.280000e+02 : f32
    %div3A_23 = vector.broadcast %div3A_22 : f32 to vector<1000x1xf32>
    %div3A_24 = arith.divf %broadcast_in_dim3A, %div3A_23 : vector<1000x1xf32>
    %sub3A = vector.broadcast %div3A_24 : vector<1000x1xf32> to vector<1000x128xf32>
    %sub3A_25 = arith.subf %add3A_20, %sub3A : vector<1000x128xf32>
    %integer_pow3A = arith.mulf %sub3A_25, %sub3A_25 : vector<1000x128xf32>
    %reduce_sum3A_26 = arith.constant dense<0.000000e+00> : vector<1000xf32>
    %reduce_sum3A_27 = vector.multi_reduction <add>, %integer_pow3A, %reduce_sum3A_26 [1] : vector<1000x128xf32> to vector<1000xf32>
    %broadcast_in_dim3A_28 = vector.shape_cast %reduce_sum3A_27 : vector<1000xf32> to vector<1000x1xf32>
    %div3A_29 = arith.constant 1.280000e+02 : f32
    %div3A_30 = vector.broadcast %div3A_29 : f32 to vector<1000x1xf32>
    %div3A_31 = arith.divf %broadcast_in_dim3A_28, %div3A_30 : vector<1000x1xf32>
    %sub3A_32 = vector.broadcast %div3A_24 : vector<1000x1xf32> to vector<1000x128xf32>
    %sub3A_33 = arith.subf %add3A_20, %sub3A_32 : vector<1000x128xf32>
    %add3A_34 = arith.constant 9.99999974E-6 : f32
    %add3A_35 = vector.broadcast %add3A_34 : f32 to vector<1000x1xf32>
    %add3A_36 = arith.addf %div3A_31, %add3A_35 : vector<1000x1xf32>
    %sqrt3A = math.sqrt %add3A_36 : vector<1000x1xf32>
    %div3A_37 = vector.broadcast %sqrt3A : vector<1000x1xf32> to vector<1000x128xf32>
    %div3A_38 = arith.divf %sub3A_33, %div3A_37 : vector<1000x128xf32>
    %get3A_39 = arith.constant 0 : index
    %get3A_40 = arith.constant 0 : index
    %get3A_41 = vector.load %arg6[%get3A_39, %get3A_40] : memref<1x128xf32, #tpu.memory_space<vmem>>, vector<1x128xf32>
    %mul3A_42 = vector.broadcast %get3A_41 : vector<1x128xf32> to vector<1000x128xf32>
    %mul3A_43 = arith.mulf %div3A_38, %mul3A_42 : vector<1000x128xf32>
    %get3A_44 = arith.constant 0 : index
    %get3A_45 = arith.constant 0 : index
    %get3A_46 = vector.load %arg7[%get3A_44, %get3A_45] : memref<1x128xf32, #tpu.memory_space<vmem>>, vector<1x128xf32>
    %add3A_47 = vector.broadcast %get3A_46 : vector<1x128xf32> to vector<1000x128xf32>
    %add3A_48 = arith.addf %mul3A_43, %add3A_47 : vector<1000x128xf32>
    %integer_pow3A_49 = arith.mulf %add3A_48, %add3A_48 : vector<1000x128xf32>
    %integer_pow3A_50 = arith.mulf %add3A_48, %integer_pow3A_49 : vector<1000x128xf32>
    %mul3A_51 = arith.constant 4.471500e-02 : f32
    %mul3A_52 = vector.broadcast %mul3A_51 : f32 to vector<1000x128xf32>
    %mul3A_53 = arith.mulf %mul3A_52, %integer_pow3A_50 : vector<1000x128xf32>
    %add3A_54 = arith.addf %add3A_48, %mul3A_53 : vector<1000x128xf32>
    %mul3A_55 = arith.constant 0.797884583 : f32
    %mul3A_56 = vector.broadcast %mul3A_55 : f32 to vector<1000x128xf32>
    %mul3A_57 = arith.mulf %mul3A_56, %add3A_54 : vector<1000x128xf32>
    %tanh3A = math.tanh %mul3A_57 : vector<1000x128xf32>
    %add3A_58 = arith.constant 1.000000e+00 : f32
    %add3A_59 = vector.broadcast %add3A_58 : f32 to vector<1000x128xf32>
    %add3A_60 = arith.addf %add3A_59, %tanh3A : vector<1000x128xf32>
    %mul3A_61 = arith.constant 5.000000e-01 : f32
    %mul3A_62 = vector.broadcast %mul3A_61 : f32 to vector<1000x128xf32>
    %mul3A_63 = arith.mulf %mul3A_62, %add3A_60 : vector<1000x128xf32>
    %mul3A_64 = arith.mulf %add3A_48, %mul3A_63 : vector<1000x128xf32>
    %swap3A = arith.constant 0 : index
    %swap3A_65 = arith.constant 0 : index
    %swap3A_66 = vector.load %arg10[%swap3A, %swap3A_65] : memref<1000x128xf32, #tpu.memory_space<vmem>>, vector<1000x128xf32>
    tpu.vector_store %arg10[%swap3A, %swap3A_65], %mul3A_64 {strides = array<i32>} : memref<1000x128xf32, #tpu.memory_space<vmem>>, vector<1000x128xf32>,
    %get3A_67 = arith.constant 0 : index
    %get3A_68 = arith.constant 0 : index
    %get3A_69 = vector.load %arg8[%get3A_67, %get3A_68] : memref<128x128xf32, #tpu.memory_space<vmem>>, vector<128x128xf32>
    %dot_general3A = arith.constant dense<0.000000e+00> : vector<1000x128xf32>
    %dot_general3A_70 = tpu.matmul %mul3A_64, %get3A_69, %dot_general3A {dimension_numbers = #tpu.dot_dimension_numbers<[1], [0], [0], [1], [0, 0, 1, 1], [], []>, transpose_lhs_hint = false} : vector<1000x128xf32>, vector<128x128xf32>, vector<1000x128xf32> -> vector<1000x128xf32>
    %swap3A_71 = arith.constant 0 : index
    %swap3A_72 = arith.constant 0 : index
    %swap3A_73 = vector.load %arg9[%swap3A_71, %swap3A_72] : memref<1000x128xf32, #tpu.memory_space<vmem>>, vector<1000x128xf32>
    tpu.vector_store %arg9[%swap3A_71, %swap3A_72], %dot_general3A_70 {strides = array<i32>} : memref<1000x128xf32, #tpu.memory_space<vmem>>, vector<1000x128xf32>,
    return
  }
  func.func @transform_0(%arg0: i32) -> (i32, i32) {
    %c0_i32 = arith.constant 0 : i32
    %c0_i32_0 = arith.constant 0 : i32
    return %arg0, %c0_i32 : i32, i32
  }
  func.func @transform_1(%arg0: i32) -> (i32, i32) {
    %c0_i32 = arith.constant 0 : i32
    %c0_i32_0 = arith.constant 0 : i32
    return %arg0, %c0_i32 : i32, i32
  }
  func.func @transform_2(%arg0: i32) -> (i32, i32) {
    %c0_i32 = arith.constant 0 : i32
    %c0_i32_0 = arith.constant 0 : i32
    return %arg0, %c0_i32 : i32, i32
  }
  func.func @transform_3(%arg0: i32) -> (i32, i32) {
    %c0_i32 = arith.constant 0 : i32
    %c0_i32_0 = arith.constant 0 : i32
    return %arg0, %c0_i32 : i32, i32
  }
  func.func @transform_4(%arg0: i32) -> (i32, i32) {
    %c0_i32 = arith.constant 0 : i32
    %c0_i32_0 = arith.constant 0 : i32
    return %arg0, %c0_i32 : i32, i32
  }
  func.func @transform_5(%arg0: i32) -> (i32, i32) {
    %c0_i32 = arith.constant 0 : i32
    %c0_i32_0 = arith.constant 0 : i32
    %c0_i32_1 = arith.constant 0 : i32
    return %c0_i32, %c0_i32_0 : i32, i32
  }
  func.func @transform_6(%arg0: i32) -> (i32, i32) {
    %c0_i32 = arith.constant 0 : i32
    %c0_i32_0 = arith.constant 0 : i32
    %c0_i32_1 = arith.constant 0 : i32
    return %c0_i32, %c0_i32_0 : i32, i32
  }
  func.func @transform_7(%arg0: i32) -> (i32, i32) {
    %c0_i32 = arith.constant 0 : i32
    %c0_i32_0 = arith.constant 0 : i32
    %c0_i32_1 = arith.constant 0 : i32
    return %c0_i32, %c0_i32_0 : i32, i32
  }
  func.func @transform_8(%arg0: i32) -> (i32, i32) {
    %c0_i32 = arith.constant 0 : i32
    %c0_i32_0 = arith.constant 0 : i32
    return %arg0, %c0_i32 : i32, i32
  }
  func.func @transform_9(%arg0: i32) -> (i32, i32) {
    %c0_i32 = arith.constant 0 : i32
    %c0_i32_0 = arith.constant 0 : i32
    return %arg0, %c0_i32 : i32, i32
  }
}

module attributes {stable_mosaic.version = 14 : i64} {
  func.func @_tc3_body(%arg0: i32, %arg1: memref<1000x128xf32, #tpu.memory_space<vmem>>, %arg2: memref<1000x128xf32, #tpu.memory_space<vmem>>, %arg3: memref<1000x1xf32, #tpu.memory_space<vmem>>, %arg4: memref<1000x1xf32, #tpu.memory_space<vmem>>, %arg5: memref<1000x128xf32, #tpu.memory_space<vmem>>, %arg6: memref<1x128xf32, #tpu.memory_space<vmem>>, %arg7: memref<1x128xf32, #tpu.memory_space<vmem>>, %arg8: memref<1000x128xf32, #tpu.memory_space<vmem>>) attributes {dimension_semantics = [#tpu.dimension_semantics<arbitrary>], iteration_bounds = array<i64: 10>, scalar_prefetch = 0 : i64, scratch_operands = 0 : i64, tpu.core_type = #tpu.core_type<tc>, window_params = [{transform_indices = @transform_0, window_bounds = array<i64: 1000, 128>}, {transform_indices = @transform_1, window_bounds = array<i64: 1000, 128>}, {transform_indices = @transform_2, window_bounds = array<i64: 1000, 1>}, {transform_indices = @transform_3, window_bounds = array<i64: 1000, 1>}, {transform_indices = @transform_4, window_bounds = array<i64: 1000, 128>}, {pipeline_mode = #tpu.pipeline_mode<synchronous>, transform_indices = @transform_5, window_bounds = array<i64: 1, 128>}, {pipeline_mode = #tpu.pipeline_mode<synchronous>, transform_indices = @transform_6, window_bounds = array<i64: 1, 128>}, {transform_indices = @transform_7, window_bounds = array<i64: 1000, 128>}]} {
    %get3A = arith.constant 0 : index
    %get3A_0 = arith.constant 0 : index
    %get3A_1 = vector.load %arg3[%get3A, %get3A_0] : memref<1000x1xf32, #tpu.memory_space<vmem>>, vector<1000x1xf32>
    %get3A_2 = arith.constant 0 : index
    %get3A_3 = arith.constant 0 : index
    %get3A_4 = vector.load %arg4[%get3A_2, %get3A_3] : memref<1000x1xf32, #tpu.memory_space<vmem>>, vector<1000x1xf32>
    %add3A = arith.addf %get3A_1, %get3A_4 : vector<1000x1xf32>
    %max3A = arith.constant 1.000000e+00 : f32
    %max3A_5 = vector.broadcast %max3A : f32 to vector<1000x1xf32>
    %max3A_6 = arith.maximumf %add3A, %max3A_5 : vector<1000x1xf32>
    %div3A = arith.constant 1.000000e+00 : f32
    %div3A_7 = vector.broadcast %div3A : f32 to vector<1000x1xf32>
    %div3A_8 = arith.divf %div3A_7, %max3A_6 : vector<1000x1xf32>
    %get3A_9 = arith.constant 0 : index
    %get3A_10 = arith.constant 0 : index
    %get3A_11 = vector.load %arg1[%get3A_9, %get3A_10] : memref<1000x128xf32, #tpu.memory_space<vmem>>, vector<1000x128xf32>
    %get3A_12 = arith.constant 0 : index
    %get3A_13 = arith.constant 0 : index
    %get3A_14 = vector.load %arg2[%get3A_12, %get3A_13] : memref<1000x128xf32, #tpu.memory_space<vmem>>, vector<1000x128xf32>
    %add3A_15 = arith.addf %get3A_11, %get3A_14 : vector<1000x128xf32>
    %mul3A = vector.broadcast %div3A_8 : vector<1000x1xf32> to vector<1000x128xf32>
    %mul3A_16 = arith.mulf %add3A_15, %mul3A : vector<1000x128xf32>
    %get3A_17 = arith.constant 0 : index
    %get3A_18 = arith.constant 0 : index
    %get3A_19 = vector.load %arg5[%get3A_17, %get3A_18] : memref<1000x128xf32, #tpu.memory_space<vmem>>, vector<1000x128xf32>
    %add3A_20 = arith.addf %mul3A_16, %get3A_19 : vector<1000x128xf32>
    %reduce_sum3A = arith.constant dense<0.000000e+00> : vector<1000xf32>
    %reduce_sum3A_21 = vector.multi_reduction <add>, %add3A_20, %reduce_sum3A [1] : vector<1000x128xf32> to vector<1000xf32>
    %broadcast_in_dim3A = vector.shape_cast %reduce_sum3A_21 : vector<1000xf32> to vector<1000x1xf32>
    %div3A_22 = arith.constant 1.280000e+02 : f32
    %div3A_23 = vector.broadcast %div3A_22 : f32 to vector<1000x1xf32>
    %div3A_24 = arith.divf %broadcast_in_dim3A, %div3A_23 : vector<1000x1xf32>
    %sub3A = vector.broadcast %div3A_24 : vector<1000x1xf32> to vector<1000x128xf32>
    %sub3A_25 = arith.subf %add3A_20, %sub3A : vector<1000x128xf32>
    %integer_pow3A = arith.mulf %sub3A_25, %sub3A_25 : vector<1000x128xf32>
    %reduce_sum3A_26 = arith.constant dense<0.000000e+00> : vector<1000xf32>
    %reduce_sum3A_27 = vector.multi_reduction <add>, %integer_pow3A, %reduce_sum3A_26 [1] : vector<1000x128xf32> to vector<1000xf32>
    %broadcast_in_dim3A_28 = vector.shape_cast %reduce_sum3A_27 : vector<1000xf32> to vector<1000x1xf32>
    %div3A_29 = arith.constant 1.280000e+02 : f32
    %div3A_30 = vector.broadcast %div3A_29 : f32 to vector<1000x1xf32>
    %div3A_31 = arith.divf %broadcast_in_dim3A_28, %div3A_30 : vector<1000x1xf32>
    %sub3A_32 = vector.broadcast %div3A_24 : vector<1000x1xf32> to vector<1000x128xf32>
    %sub3A_33 = arith.subf %add3A_20, %sub3A_32 : vector<1000x128xf32>
    %add3A_34 = arith.constant 9.99999974E-6 : f32
    %add3A_35 = vector.broadcast %add3A_34 : f32 to vector<1000x1xf32>
    %add3A_36 = arith.addf %div3A_31, %add3A_35 : vector<1000x1xf32>
    %sqrt3A = math.sqrt %add3A_36 : vector<1000x1xf32>
    %div3A_37 = vector.broadcast %sqrt3A : vector<1000x1xf32> to vector<1000x128xf32>
    %div3A_38 = arith.divf %sub3A_33, %div3A_37 : vector<1000x128xf32>
    %get3A_39 = arith.constant 0 : index
    %get3A_40 = arith.constant 0 : index
    %get3A_41 = vector.load %arg6[%get3A_39, %get3A_40] : memref<1x128xf32, #tpu.memory_space<vmem>>, vector<1x128xf32>
    %mul3A_42 = vector.broadcast %get3A_41 : vector<1x128xf32> to vector<1000x128xf32>
    %mul3A_43 = arith.mulf %div3A_38, %mul3A_42 : vector<1000x128xf32>
    %get3A_44 = arith.constant 0 : index
    %get3A_45 = arith.constant 0 : index
    %get3A_46 = vector.load %arg7[%get3A_44, %get3A_45] : memref<1x128xf32, #tpu.memory_space<vmem>>, vector<1x128xf32>
    %add3A_47 = vector.broadcast %get3A_46 : vector<1x128xf32> to vector<1000x128xf32>
    %add3A_48 = arith.addf %mul3A_43, %add3A_47 : vector<1000x128xf32>
    %swap3A = arith.constant 0 : index
    %swap3A_49 = arith.constant 0 : index
    %swap3A_50 = vector.load %arg8[%swap3A, %swap3A_49] : memref<1000x128xf32, #tpu.memory_space<vmem>>, vector<1000x128xf32>
    tpu.vector_store %arg8[%swap3A, %swap3A_49], %add3A_48 {strides = array<i32>} : memref<1000x128xf32, #tpu.memory_space<vmem>>, vector<1000x128xf32>,
    return
  }
  func.func @transform_0(%arg0: i32) -> (i32, i32) {
    %c0_i32 = arith.constant 0 : i32
    %c0_i32_0 = arith.constant 0 : i32
    return %arg0, %c0_i32 : i32, i32
  }
  func.func @transform_1(%arg0: i32) -> (i32, i32) {
    %c0_i32 = arith.constant 0 : i32
    %c0_i32_0 = arith.constant 0 : i32
    return %arg0, %c0_i32 : i32, i32
  }
  func.func @transform_2(%arg0: i32) -> (i32, i32) {
    %c0_i32 = arith.constant 0 : i32
    %c0_i32_0 = arith.constant 0 : i32
    return %arg0, %c0_i32 : i32, i32
  }
  func.func @transform_3(%arg0: i32) -> (i32, i32) {
    %c0_i32 = arith.constant 0 : i32
    %c0_i32_0 = arith.constant 0 : i32
    return %arg0, %c0_i32 : i32, i32
  }
  func.func @transform_4(%arg0: i32) -> (i32, i32) {
    %c0_i32 = arith.constant 0 : i32
    %c0_i32_0 = arith.constant 0 : i32
    return %arg0, %c0_i32 : i32, i32
  }
  func.func @transform_5(%arg0: i32) -> (i32, i32) {
    %c0_i32 = arith.constant 0 : i32
    %c0_i32_0 = arith.constant 0 : i32
    %c0_i32_1 = arith.constant 0 : i32
    return %c0_i32, %c0_i32_0 : i32, i32
  }
  func.func @transform_6(%arg0: i32) -> (i32, i32) {
    %c0_i32 = arith.constant 0 : i32
    %c0_i32_0 = arith.constant 0 : i32
    %c0_i32_1 = arith.constant 0 : i32
    return %c0_i32, %c0_i32_0 : i32, i32
  }
  func.func @transform_7(%arg0: i32) -> (i32, i32) {
    %c0_i32 = arith.constant 0 : i32
    %c0_i32_0 = arith.constant 0 : i32
    return %arg0, %c0_i32 : i32, i32
  }
}

</mosaic_0001>

<sc_bundles>
// kernel: kernel.12.cloned.1.call-start
scs
__scs_entry_jumppad:
0x0: {  	(pc) =	sbr.rel $0x88, $3  }
0x1: {  	(tag) =	ssettag $0x0;
	lr =	simm.s32 $0x1  }
0x2: {  	[smem:$0x3F95] =	sst lr;
	_ =	strace $0xD0000000  }
0x3: {  	_ = 	snop  }
0x4: {  	_ = 	snop  }
0x5: {  	_ = 	snop  }
0x6: {  	_ = 	snop  }
0x7: {  	_ = 	snop  }
__scs_overlays_trampoline_lowered:
0x8: {  	[smem:$0x3FA4] =	sst s0  }
0x9: {  	[smem:$0x3FA5] =	sst s1  }
0xa: {  	[smem:$0x3FA6] =	sst s2  }
0xb: {  	[smem:$0x3FA7] =	sst s3  }
0xc: {  	[smem:$0x3FA8] =	sst s4  }
0xd: {  	[smem:$0x3FA9] =	sst s5  }
0xe: {  	[smem:$0x3FAA] =	sst s6  }
0xf: {  	[smem:$0x3FAB] =	sst s7  }
0x10: {  	[smem:$0x3FAC] =	sst s8  }
0x11: {  	[smem:$0x3FAD] =	sst s9;
	s0 =	simm.s32 @!p0 $0x0  }
0x12: {  	s1 =	sld [smem:$0x3F93];
	s0 =	simm.s32 @p0 $0x1  }
0x13: {  	[smem:$0x3FAE] =	sst s0;
	s0 =	simm.s32 @!p1 $0x0  }
0x14: {  	s2 =	sld [smem:$0x3F92];
	s0 =	simm.s32 @p1 $0x1  }
0x15: {  	[smem:$0x3FAF] =	sst s0;
	s0 =	simm.s32 @!p2 $0x0  }
0x16: {  	s3 =	sld [smem:$0x3FDB];
	s0 =	simm.s32 @p2 $0x1  }
0x17: {  	s4 =	simm.s32 $0x1BF5;
	[smem:$0x3FB1] =	sst s0  }
0x18: {  	s0 =	sld [smem:$0x3F94];
	_ =	swait.ge [sflag:s4], $0x0  }
0x19: {  	s7 =	sld [smem:$0x3F95]  }
0x1a: {  	s8 =	sadd.s32 $0xFFFFE003, lr  }
0x1b: {  	s9 =	sadd.s32 $0xFFFFFEF7, lr;
	s5 =	simm.s32 $0xFFFFFFFF;
	p2 =	slt.u32 s8, $0xFFFFF086  }
0x1c: {  	p1 =	slt.u32 s9, $0xF7A;
	s5 =	simm.s32 @!p2 $0x0  }
0x1d: {  	s5 =	simm.s32 @p1 $0x1;
	p0 =	seq.s32 s7, s2  }
0x1e: {  	s7 =	smul.u32 @!p0 $0xF7A, s2;
	p2 =	seq.s32 @!p0 s5, $0x0  }
0x1f: {  	s9 =	smul.u32 $0xF7A, s1;
	s8 =	simm.s32 @!p0 $0x1BF5;
	p2 =	por !p2, p0  }
0x20: {  	[sflag:s8] =	ssyncset.s32 @!p0 $0xFFFFF086;
	s6 =	sadd.s32 @!p0 s3, s7;
	s7 =	simm.s32 @!p0 $0x108  }
0x21: {  	s3 =	sadd.s32 s3, s9;
	s6 =	sadd.s32 @!p0 $0x88, s6;
	s7 =	simm.s32 @p2 $0x1082  }
0x22: {  	[simem:s7], [sflag:s8] =	dma.local @!p0 [hbm:s6], $0xF7A  }
0x23: {  	s9 =	sor.u32 $0xD0000000, s2;
	s6 =	simm.s32 $0x108;
	_ =	swait.ge @!p0 [sflag:s8], $0x0  }
0x24: {  	s3 =	sadd.s32 $0x88, s3;
	s6 =	simm.s32 @!p1 $0x1082;
	[sflag:s4] =	ssyncset.s32 $0xFFFFF086  }
0x25: {  	[simem:s6], [sflag:s4] =	dma.local [hbm:s3], $0xF7A  }
0x26: {  	[smem:$0x3F95] =	sst s1;
	(tag) =	ssettag s2;
	_ =	strace s9  }
0x27: {  	s1 =	sld [smem:$0x3FA5]  }
0x28: {  	s2 =	sld [smem:$0x3FA6]  }
0x29: {  	s4 =	sld [smem:$0x3FA8]  }
0x2a: {  	p0 =	seq.s32 s5, $0x0;
	s5 =	sld [smem:$0x3FA9]  }
0x2b: {  	s6 =	sld [smem:$0x3FAA]  }
0x2c: {  	s7 =	sld [smem:$0x3FAB]  }
0x2d: {  	s3 =	simm.s32 $0x108;
	s8 =	sld [smem:$0x3FAC]  }
0x2e: {  	s3 =	simm.s32 @!p0 $0x1082;
	s9 =	sld [smem:$0x3FAD]  }
0x2f: {  	lr =	sadd.s32 s0, s3;
	s0 =	sld [smem:$0x3FA4]  }
0x30: {  	s3 =	sld [smem:$0x3FA7]  }
0x31: {  	[smem:$0x3FB0] =	sst s10  }
0x32: {  	s10 =	sld [smem:$0x3FAE];
	_ =	sdelay $0x3  }
0x33: {  	p0 =	seq.s32 s10, $0x1;
	s10 =	sld [smem:$0x3FB0];
	_ =	sdelay $0x3  }
0x34: {  	[smem:$0x3FB0] =	sst s10  }
0x35: {  	s10 =	sld [smem:$0x3FAF];
	_ =	sdelay $0x3  }
0x36: {  	p1 =	seq.s32 s10, $0x1;
	s10 =	sld [smem:$0x3FB0];
	_ =	sdelay $0x3  }
0x37: {  	[smem:$0x3FB0] =	sst s10  }
0x38: {  	s10 =	sld [smem:$0x3FB1]  }
0x39: {  	_ = 	snop;
	(pc) =	sbr.ind lr, $3  }
0x3a: {  	_ = 	snop  }
0x3b: {  	_ = 	snop  }
0x3c: {  	p2 =	seq.s32 s10, $0x1;
	s10 =	sld [smem:$0x3FB0]  }
0x3d: {  	_ =	shalt  }
0x3e: {  	_ =	shalt  }
0x3f: {  	_ =	shalt  }
0x40: {  	_ =	shalt  }
0x41: {  	_ =	shalt  }
0x42: {  	_ =	shalt  }
0x43: {  	_ =	shalt  }
0x44: {  	_ =	shalt  }
0x45: {  	_ =	shalt  }
0x46: {  	_ =	shalt  }
0x47: {  	_ =	shalt  }
0x48: {  	_ =	shalt  }
0x49: {  	_ =	shalt  }
0x4a: {  	_ =	shalt  }
0x4b: {  	_ =	shalt  }
0x4c: {  	_ =	shalt  }
0x4d: {  	_ =	shalt  }
0x4e: {  	_ =	shalt  }
0x4f: {  	_ =	shalt  }
0x50: {  	_ =	shalt  }
0x51: {  	_ =	shalt  }
0x52: {  	_ =	shalt  }
0x53: {  	_ =	shalt  }
0x54: {  	_ =	shalt  }
0x55: {  	_ =	shalt  }
0x56: {  	_ =	shalt  }
0x57: {  	_ =	shalt  }
0x58: {  	_ =	shalt  }
0x59: {  	_ =	shalt  }
0x5a: {  	_ =	shalt  }
0x5b: {  	_ =	shalt  }
0x5c: {  	_ =	shalt  }
0x5d: {  	_ =	shalt  }
0x5e: {  	_ =	shalt  }
0x5f: {  	_ =	shalt  }
0x60: {  	_ =	shalt  }
0x61: {  	_ =	shalt  }
0x62: {  	_ =	shalt  }
0x63: {  	_ =	shalt  }
0x64: {  	_ =	shalt  }
0x65: {  	_ =	shalt  }
0x66: {  	_ =	shalt  }
0x67: {  	_ =	shalt  }
0x68: {  	_ =	shalt  }
0x69: {  	_ =	shalt  }
0x6a: {  	_ =	shalt  }
0x6b: {  	_ =	shalt  }
0x6c: {  	_ =	shalt  }
0x6d: {  	_ =	shalt  }
0x6e: {  	_ =	shalt  }
0x6f: {  	_ =	shalt  }
0x70: {  	_ =	shalt  }
0x71: {  	_ =	shalt  }
0x72: {  	_ =	shalt  }
0x73: {  	_ =	shalt  }
0x74: {  	_ =	shalt  }
0x75: {  	_ =	shalt  }
0x76: {  	_ =	shalt  }
0x77: {  	_ =	shalt  }
0x78: {  	_ =	shalt  }
0x79: {  	_ =	shalt  }
0x7a: {  	_ =	shalt  }
0x7b: {  	_ =	shalt  }
0x7c: {  	_ =	shalt  }
0x7d: {  	_ =	shalt  }
0x7e: {  	_ =	shalt  }
0x7f: {  	_ =	shalt  }
0x80: {  	_ =	shalt  }
0x81: {  	_ =	shalt  }
0x82: {  	_ =	shalt  }
0x83: {  	_ =	shalt  }
0x84: {  	_ =	shalt  }
0x85: {  	_ =	shalt  }
0x86: {  	_ =	shalt  }
0x87: {  	_ =	shalt  }
.Lfunc_end0:
.L_simem_size_0:
called_computation.1_lowered:
.L_overlay_start_0:
0x88: {  	s2 =	sld [smem:$0x3FD9]  }
0x89: {  	s3 =	sld [smem:$0x3FFE];
	_ =	sdelay $0x1  }
0x8a: {  	s1 =	srdreg.scid  }
0x8b: {  	s0 =	sand.u32 $0x1, s1  }
0x8c: {  	s16 =	sshll.u32 s0, $0xA;
	s2 =	sadd.s32 s3, s2  }
0x8d: {  	s2 =	sadd.s32 s2, s16  }
0x8e: {  	[smem:$0x3FBC] =	sst s2  }
0x8f: {  	_ = 	snop  }
0x90: {  	(tm) =	ssettm $0x1  }
0x91: {  	s17 =	sld [smem:$0x3FFB];
	_ =	sdelay $0x3  }
0x92: {  	_ =	strace s17  }
0x93: {  	s2 =	sld [smem:$0x3FFC];
	_ =	sdelay $0x3  }
0x94: {  	_ =	strace s2  }
0x95: {  	s2 =	sld [smem:$0x3FFD];
	_ =	sdelay $0x3  }
0x96: {  	_ =	strace s2  }
0x97: {  	_ =	strace $0x8FFFFFFF  }
0x98: {  	s18 =	sld [smem:$0x3FDB];
	_ =	sdelay $0x1  }
0x99: {  	s19 =	simm.s32 $_scs_section_size  }
0x9a: {  	s4 =	simm.s32 $_size__tile_overlayer_lowered;
	s5 =	simm.s32 $_tile_overlayer_lowered  }
0x9b: {  	s22 =	simm.s32 $0x1BFF;
	s21 =	sshll.u32 s5, $0x1;
	s2 =	sadd.s32 s19, s18  }
0x9c: {  	s6 =	simm.s32 $0x0;
	s20 =	sshll.u32 s4, $0x1;
	s4 =	sadd.s32 s21, s2  }
0x9d: {  	[timem:s6], [sflag:s22] =	dma.local [hbm:s4], s20  }
0x9e: {  	_ =	swait.ge [sflag:s22], s20  }
0x9f: {  	s3 =	ssub.s32 $0x0, s20;
	[sflag:s22] =	ssyncset.done $0x0  }
0xa0: {  	[sflag:s22] =	ssyncadd.s32 s3;
	_ =	sdelay $0x1  }
0xa1: {  	s23 =	simm.s32 $0x1B8B  }
0xa2: {  	_ =	swait.ge [sflag:s23], $0x1  }
0xa3: {  	[sflag:s23] =	ssyncset.done $0x0  }
0xa4: {  	s25 =	simm.s32 $0x1B8E;
	s24 =	sld [smem:$0x3FFE];
	[sflag:s23] =	ssyncadd.s32 $0xFFFFFFFF  }
0xa5: {  	s26 =	simm.s32 $execute0_lowered;
	[smem:$0x3FD2] =	sst s25  }
0xa6: {  	s4 =	sshll.u32 s26, $0x1;
	_ =	strace $0x80000049;
	[dreg:$0x1] =	wrdreg $0xFFFFFFFF  }
0xa7: {  	s28 =	simm.s32 $_size_execute0_lowered;
	s2 =	sadd.s32 s2, s4;
	[dreg:$0x0] =	wrdreg $0x0  }
0xa8: {  	s4 =	sshll.u32 s28, $0x1;
	[dreg:$0x2] =	wrdreg s2  }
0xa9: {  	[dreg:$0x3] =	wrdreg s4  }
0xaa: {  	[dreg:$0x4] =	wrdreg $0xC0  }
0xab: {  	_ =	task [dreg:s6], $0x5FFFF  }
0xac: {  	[dreg:$0x1] =	wrdreg $0xFFFFFFFF  }
0xad: {  	[dreg:$0x0] =	wrdreg $0x60  }
0xae: {  	[dreg:$0x2] =	wrdreg s24  }
0xaf: {  	[dreg:$0x3] =	wrdreg $0xB5800  }
0xb0: {  	[dreg:$0x4] =	wrdreg $0x9  }
0xb1: {  	_ =	task.clear_ibuf [dreg:s6], $0x5FFFF;
	_ =	strace $0x90000049  }
0xb2: {  	s29 =	simm.s32 $0x9;
	_ =	strace $0x8000004B  }
0xb3: {  	_ =	swait.ge [sflag:s29], $0x1  }
0xb4: {  	[sflag:s29] =	ssyncadd.s32 $0xFFFFFFFF  }
0xb5: {  	_ =	strace $0x9000004B  }
0xb6: {  	_ =	sfence  }
0xb7: {  	s30 =	sld [smem:$0x0];
	_ =	sdelay $0x2  }
0xb8: {  	s31 =	sshll.u32 s1, $0xD;
	s1 =	sshrl.u32 s1, $0x2  }
0xb9: {  	s3 =	sand.u32 $0x4000, s31;
	s1 =	sadd.s32 s1, s30  }
0xba: {  	s0 =	sor.u32 s3, s0;
	s1 =	sshll.u32 s1, $0x11  }
0xbb: {  	s0 =	sor.u32 s1, s0  }
0xbc: {  	s0 =	sadd.s32 $0x8F2B, s0  }
0xbd: {  	[sflag:s0] =	ssyncadd.remote.s32 $0x1  }
0xbe: {  	_ =	sfence.sel $0xFFFF  }
0xbf: {  	[dreg:$0x0] =	wrdreg $0xFFFFFFFF;
	(pc) =	sbr.abs _section_cstart, $3  }
0xc0: {  	[dreg:$0x1] =	wrdreg $0xFFFFFFFF  }
0xc1: {  	_ =	task.clear_ibuf [dreg:s6], $0x2FFFF;
	_ =	strace $0x9FFFFFFF  }
0xc2: {  	(tm) =	ssettm $0x7FFFFFFF  }
0xc3: {  	_ =	shalt  }
tec
execute0_lowered:
.L_overlay_start_1:
0x0: {  	(tag) =	ssettag $0x1  }
0x1: {  	s1 =	rddreg [dreg:$0x0]  }
0x2: {  	s0 =	srdreg.scid;
	s2 =	rddreg [dreg:$0x1]  }
0x3: {  	s12 =	stileid.u32;
	s3 =	simm.s32 $0x0;
	s28 =	simm.s32 $0x7580  }
0x4: {  	s29 =	simm.s32 $0x5500;
	s31 =	simm.s32 $0x9580;
	s30 =	simm.s32 $0x5  }
0x5: {  	s0 =	sand.u32 $0x1, s0;
	[smem:$0x7FF] =	sst s3;
	s9 =	smul.u32 $0x2780, s12  }
0x6: {  	s7 =	sadd.s32 $0x4800, s1;
	s11 =	smul.u32 $0x4F000, s12;
	s17 =	sshll.u32 s12, $0x6  }
0x7: {  	s19 =	smul.u32 $0x2A00, s12;
	p0 =	seq.s32 s12, $0xF;
	s4 =	sshll.u32 s0, $0x4  }
0x8: {  	_ =	strace $0x8000004A;
	s8 =	smul.u32 $0x27100, s0;
	s10 =	ssub.s32 $0x2, s0  }
0x9: {  	s0 =	smul.u32 $0x2A000, s0;
	s5 =	sor.u32 s12, s4;
	s4 =	sadd.s32 $0x73200, s1  }
0xa: {  	[dreg:$0x3] =	wrdreg s9;
	s9 =	sadd.s32 s9, s1;
	s6 =	smul.u32 $0xA80, s5  }
0xb: {  	s26 =	sshrl.u32 s10, $0x1;
	s13 =	sshrl.u32 s11, $0x2;
	s5 =	smul.u32 $0x2A00, s5  }
0xc: {  	s10 =	ssub.s32 s10, s26;
	s14 =	sadd.s32 s13, s2;
	s9 =	sadd.s32 $0x24800, s9  }
0xd: {  	s0 =	sadd.s32 s19, s0;
	s19 =	simm.s32 $0x1;
	[dreg:$0x6] =	wrdreg s9  }
0xe: {  	s22 =	smax.u32 s10, $0x1;
	s23 =	sor.u32 $0x140, s0;
	s24 =	sor.u32 $0x100, s0  }
0xf: {  	s0 =	sor.u32 $0xC0, s0;
	s26 =	sshrl.u32 s14, $0x3;
	s9 =	simm.s32 $0x6  }
0x10: {  	s10 =	simm.s32 $0x0;
	s6 =	sadd.s32 s6, s1;
	s1 =	sadd.s32 s8, s1  }
0x11: {  	s5 =	sshrl.u32 s5, $0x3;
	[dreg:$0xa] =	wrdreg s22;
	s25 =	sshrl.u32 s24, $0x3  }
0x12: {  	s0 =	sshrl.u32 s0, $0x3;
	[dreg:$0xb] =	wrdreg s26;
	s22 =	simm.s32 $0x40  }
0x13: {  	s24 =	simm.s32 $0x5480;
	s26 =	simm.s32 $0x8;
	s6 =	sadd.s32 $0xF000, s6  }
0x14: {  	s18 =	sadd.s32 s7, s5;
	s13 =	sadd.s32 $0xC1600, s1;
	s1 =	sadd.s32 $0x128400, s2  }
0x15: {  	s5 =	sshrl.u32 s23, $0x3;
	s16 =	sadd.s32 s25, s7;
	s23 =	simm.s32 $0x5580  }
0x16: {  	[dreg:$0x4] =	wrdreg s6;
	s6 =	sor.u32 $0x1C04, s17;
	s20 =	sadd.s32 $0x8, s18  }
0x17: {  	[dreg:$0x5] =	wrdreg s18;
	s21 =	sadd.s32 $0x10, s18;
	s15 =	sadd.s32 s5, s7  }
0x18: {  	s17 =	sadd.s32 s0, s7;
	s18 =	smov.u32 s14;
	[dreg:$0x7] =	wrdreg s6  }
0x19: {  	s25 =	sshrl.u32 @p0 s1, $0x3;
	s0 =	simm.s32 $0x7;
	[dreg:$0x8] =	wrdreg s20  }
0x1a: {  	s1 =	simm.s32 $0x2;
	s5 =	simm.s32 $0x3;
	[dreg:$0x9] =	wrdreg s21  }
0x1b: {  	s20 =	simm.s32 $0x4;
	s21 =	simm.s32 $0x5400;
	s6 =	simm.s32 $0x9  }
.LBB2_1:
0x1c: {  	s7 =	rddreg [dreg:$0x4]  }
0x1d: {  	s14 =	rddreg [dreg:$0x6]  }
0x1e: {  	s8 =	rddreg [dreg:$0x7]  }
0x1f: {  	s11 =	rddreg [dreg:$0xb]  }
0x20: {  	[tilespmem:s3], [sflag:$0x1] =	stream.linear.gather [hbm4b:s7+s3], $0x5400, $0x38;
	[tilespmem:$0x1F180] =	vst v63  }
0x21: {  	[spmem:s11], [sflag:s8] =	dma.local [hbm:s14], $0x2780  }
0x22: {  	_ =	swait.ge [sflag:s19], $0x5400  }
0x23: {  	[sflag:s19] =	ssyncset.done $0x0  }
0x24: {  	[sflag:s19] =	ssyncadd.s32 $0xFFFFAC00  }
0x25: {  	_ =	swait.ge [sflag:s20], $0x2780  }
0x26: {  	[sflag:s20] =	ssyncset.done $0x0  }
0x27: {  	[sflag:s20] =	ssyncadd.s32 $0xFFFFD880  }
0x28: {  	[bflag:$0x0] =	sbarrier.arrive $0xFFFF  }
0x29: {  	s12 =	rddreg [dreg:$0x5]  }
0x2a: {  	[tilespmem:s21], [sflag:$0x7] =	stream.linear.gather [hbm4b:s12+s3], $0x40, $0x38;
	[tilespmem:$0x1F180] =	vst v63  }
0x2b: {  	_ = 	snop  }
0x2c: {  	[tilespmem:s23], [sflag:$0x1] =	stream.indirect.gather [hbm4b:s4+s22], $0x80, s3, s22, $0xb8;
	[tilespmem:$0x1F180] =	vst v63  }
0x2d: {  	s14 =	rddreg [dreg:$0x8]  }
0x2e: {  	[tilespmem:s24], [sflag:$0x8] =	stream.linear.gather [hbm4b:s14+s3], $0x40, $0x38;
	[tilespmem:$0x1F180] =	vst v63  }
0x2f: {  	s8 =	simm.s32 $0x80  }
0x30: {  	[tilespmem:s28], [sflag:$0x2] =	stream.indirect.gather [hbm4b:s4+s22], $0x80, s8, s22, $0xb8;
	[tilespmem:$0x1F180] =	vst v63  }
0x31: {  	s11 =	rddreg [dreg:$0x9]  }
0x32: {  	[tilespmem:s29], [sflag:$0x9] =	stream.linear.gather [hbm4b:s11+s3], $0x40, $0x38;
	[tilespmem:$0x1F180] =	vst v63  }
0x33: {  	s12 =	simm.s32 $0x100  }
0x34: {  	[tilespmem:s31], [sflag:$0x3] =	stream.indirect.gather [hbm4b:s4+s22], $0x80, s12, s22, $0xb8;
	[tilespmem:$0x1F180] =	vst v63  }
0x35: {  	_ =	swait.ge [sflag:s19], $0x2000  }
0x36: {  	[sflag:s19] =	ssyncset.done $0x0  }
0x37: {  	[sflag:s19] =	ssyncadd.s32 $0xFFFFE000  }
0x38: {  	_ =	swait.ge [sflag:s0], $0x40  }
0x39: {  	[sflag:s0] =	ssyncset.done $0x0  }
0x3a: {  	[sflag:s0] =	ssyncadd.s32 $0xFFFFFFC0  }
0x3b: {  	[spmem:s2] =	stream.indirect.scatter.add.f32 [tilespmem:s23], [sflag:$0x4], $0x80, s21, s22, $0xb8;
	[tilespmem:$0x1F180] =	vst v63  }
0x3c: {  	_ =	swait.ge [sflag:s20], $0x2000  }
0x3d: {  	[sflag:s20] =	ssyncset.done $0x0  }
0x3e: {  	s14 =	sadd.s32 $0x0, s17;
	[sflag:s20] =	ssyncadd.s32 $0xFFFFE000  }
0x3f: {  	[tilespmem:s21], [sflag:$0x7] =	stream.linear.gather [hbm4b:s14+s3], $0x40, $0x38;
	[tilespmem:$0x1F180] =	vst v63  }
0x40: {  	s8 =	simm.s32 $0x180  }
0x41: {  	[tilespmem:s23], [sflag:$0x1] =	stream.indirect.gather [hbm4b:s4+s22], $0x80, s8, s22, $0xb8;
	[tilespmem:$0x1F180] =	vst v63  }
0x42: {  	_ =	swait.ge [sflag:s1], $0x2000  }
0x43: {  	[sflag:s1] =	ssyncset.done $0x0  }
0x44: {  	[sflag:s1] =	ssyncadd.s32 $0xFFFFE000  }
0x45: {  	_ =	swait.ge [sflag:s26], $0x40  }
0x46: {  	[sflag:s26] =	ssyncset.done $0x0  }
0x47: {  	[sflag:s26] =	ssyncadd.s32 $0xFFFFFFC0  }
0x48: {  	[spmem:s2] =	stream.indirect.scatter.add.f32 [tilespmem:s28], [sflag:$0x5], $0x80, s24, s22, $0xb8;
	[tilespmem:$0x1F180] =	vst v63  }
0x49: {  	_ =	swait.ge [sflag:s30], $0x2000  }
0x4a: {  	[sflag:s30] =	ssyncset.done $0x0  }
0x4b: {  	s11 =	sadd.s32 $0x0, s16;
	[sflag:s30] =	ssyncadd.s32 $0xFFFFE000  }
0x4c: {  	[tilespmem:s24], [sflag:$0x8] =	stream.linear.gather [hbm4b:s11+s3], $0x40, $0x38;
	[tilespmem:$0x1F180] =	vst v63  }
0x4d: {  	s12 =	simm.s32 $0x200  }
0x4e: {  	[tilespmem:s28], [sflag:$0x2] =	stream.indirect.gather [hbm4b:s4+s22], $0x80, s12, s22, $0xb8;
	[tilespmem:$0x1F180] =	vst v63  }
0x4f: {  	_ =	swait.ge [sflag:s5], $0x2000  }
0x50: {  	[sflag:s5] =	ssyncset.done $0x0  }
0x51: {  	[sflag:s5] =	ssyncadd.s32 $0xFFFFE000  }
0x52: {  	_ =	swait.ge [sflag:s6], $0x40  }
0x53: {  	[sflag:s6] =	ssyncset.done $0x0  }
0x54: {  	[sflag:s6] =	ssyncadd.s32 $0xFFFFFFC0  }
0x55: {  	[spmem:s2] =	stream.indirect.scatter.add.f32 [tilespmem:s31], [sflag:$0x6], $0x80, s29, s22, $0xb8;
	[tilespmem:$0x1F180] =	vst v63  }
0x56: {  	_ =	swait.ge [sflag:s9], $0x2000  }
0x57: {  	s7 =	simm.s32 $0x280;
	s14 =	sadd.s32 $0x0, s15;
	[sflag:s9] =	ssyncset.done $0x0  }
0x58: {  	s11 =	simm.s32 $0x18;
	s12 =	simm.s32 $0x400;
	[sflag:s9] =	ssyncadd.s32 $0xFFFFE000  }
0x59: {  	[tilespmem:s29], [sflag:$0x9] =	stream.linear.gather [hbm4b:s14+s3], $0x40, $0x38;
	[tilespmem:$0x1F180] =	vst v63  }
.LBB2_2:
0x5a: {  	[tilespmem:s31], [sflag:$0x3] =	stream.indirect.gather [hbm4b:s4+s22], $0x80, s7, s22, $0xb8;
	[tilespmem:$0x1F180] =	vst v63  }
0x5b: {  	s14 =	smov.u32 s11;
	s7 =	smov.u32 s12  }
0x5c: {  	p1 =	sne.s32 s11, $0x510;
	s11 =	sadd.s32 $0x18, s11;
	_ =	swait.ge [sflag:s19], $0x2000  }
0x5d: {  	[sflag:s19] =	ssyncset.done $0x0  }
0x5e: {  	[sflag:s19] =	ssyncadd.s32 $0xFFFFE000  }
0x5f: {  	_ =	swait.ge [sflag:s0], $0x40  }
0x60: {  	[sflag:s0] =	ssyncset.done $0x0  }
0x61: {  	[sflag:s0] =	ssyncadd.s32 $0xFFFFFFC0  }
0x62: {  	[spmem:s2] =	stream.indirect.scatter.add.f32 [tilespmem:s23], [sflag:$0x4], $0x80, s21, s22, $0xb8;
	[tilespmem:$0x1F180] =	vst v63  }
0x63: {  	_ =	swait.ge [sflag:s20], $0x2000  }
0x64: {  	[sflag:s20] =	ssyncset.done $0x0  }
0x65: {  	s8 =	sadd.s32 s14, s17;
	[sflag:s20] =	ssyncadd.s32 $0xFFFFE000  }
0x66: {  	[tilespmem:s21], [sflag:$0x7] =	stream.linear.gather [hbm4b:s8+s3], $0x40, $0x38;
	[tilespmem:$0x1F180] =	vst v63  }
0x67: {  	s8 =	sadd.s32 $0xFFFFFF00, s12  }
0x68: {  	[tilespmem:s23], [sflag:$0x1] =	stream.indirect.gather [hbm4b:s4+s22], $0x80, s8, s22, $0xb8;
	[tilespmem:$0x1F180] =	vst v63  }
0x69: {  	_ =	swait.ge [sflag:s1], $0x2000  }
0x6a: {  	[sflag:s1] =	ssyncset.done $0x0  }
0x6b: {  	[sflag:s1] =	ssyncadd.s32 $0xFFFFE000  }
0x6c: {  	_ =	swait.ge [sflag:s26], $0x40  }
0x6d: {  	[sflag:s26] =	ssyncset.done $0x0  }
0x6e: {  	[sflag:s26] =	ssyncadd.s32 $0xFFFFFFC0  }
0x6f: {  	[spmem:s2] =	stream.indirect.scatter.add.f32 [tilespmem:s28], [sflag:$0x5], $0x80, s24, s22, $0xb8;
	[tilespmem:$0x1F180] =	vst v63  }
0x70: {  	_ =	swait.ge [sflag:s30], $0x2000  }
0x71: {  	[sflag:s30] =	ssyncset.done $0x0  }
0x72: {  	s8 =	sadd.s32 s14, s16;
	[sflag:s30] =	ssyncadd.s32 $0xFFFFE000  }
0x73: {  	[tilespmem:s24], [sflag:$0x8] =	stream.linear.gather [hbm4b:s8+s3], $0x40, $0x38;
	[tilespmem:$0x1F180] =	vst v63  }
0x74: {  	s8 =	sadd.s32 $0xFFFFFF80, s12  }
0x75: {  	[tilespmem:s28], [sflag:$0x2] =	stream.indirect.gather [hbm4b:s4+s22], $0x80, s8, s22, $0xb8;
	[tilespmem:$0x1F180] =	vst v63  }
0x76: {  	_ =	swait.ge [sflag:s5], $0x2000  }
0x77: {  	[sflag:s5] =	ssyncset.done $0x0  }
0x78: {  	[sflag:s5] =	ssyncadd.s32 $0xFFFFE000  }
0x79: {  	_ =	swait.ge [sflag:s6], $0x40  }
0x7a: {  	[sflag:s6] =	ssyncset.done $0x0  }
0x7b: {  	[sflag:s6] =	ssyncadd.s32 $0xFFFFFFC0  }
0x7c: {  	[spmem:s2] =	stream.indirect.scatter.add.f32 [tilespmem:s31], [sflag:$0x6], $0x80, s29, s22, $0xb8;
	[tilespmem:$0x1F180] =	vst v63  }
.Ltmp0:
0x7d: {  	_ =	swait.ge [sflag:s9], $0x2000;
	(pc) =	sbr.rel @p1 .LBB2_2-.Ltmp0, $4  }
0x7e: {  	[sflag:s9] =	ssyncset.done $0x0  }
0x7f: {  	s8 =	sadd.s32 s14, s15;
	[sflag:s9] =	ssyncadd.s32 $0xFFFFE000  }
0x80: {  	[tilespmem:s29], [sflag:$0x9] =	stream.linear.gather [hbm4b:s8+s3], $0x40, $0x38;
	[tilespmem:$0x1F180] =	vst v63  }
0x81: {  	s12 =	sadd.s32 $0x180, s12  }
0x82: {  	[tilespmem:s31], [sflag:$0x3] =	stream.indirect.gather [hbm4b:s4+s22], $0x80, s7, s22, $0xb8;
	[tilespmem:$0x1F180] =	vst v63  }
0x83: {  	_ =	swait.ge [sflag:s19], $0x2000  }
0x84: {  	[sflag:s19] =	ssyncset.done $0x0  }
0x85: {  	[sflag:s19] =	ssyncadd.s32 $0xFFFFE000  }
0x86: {  	_ =	swait.ge [sflag:s0], $0x40  }
0x87: {  	[sflag:s0] =	ssyncset.done $0x0  }
0x88: {  	[sflag:s0] =	ssyncadd.s32 $0xFFFFFFC0  }
0x89: {  	[spmem:s2] =	stream.indirect.scatter.add.f32 [tilespmem:s23], [sflag:$0x4], $0x80, s21, s22, $0xb8;
	[tilespmem:$0x1F180] =	vst v63  }
0x8a: {  	_ =	swait.ge [sflag:s20], $0x2000  }
0x8b: {  	[sflag:s20] =	ssyncset.done $0x0  }
0x8c: {  	[sflag:s20] =	ssyncadd.s32 $0xFFFFE000  }
0x8d: {  	_ =	swait.ge [sflag:s1], $0x2000  }
0x8e: {  	[sflag:s1] =	ssyncset.done $0x0  }
0x8f: {  	[sflag:s1] =	ssyncadd.s32 $0xFFFFE000  }
0x90: {  	_ =	swait.ge [sflag:s26], $0x40  }
0x91: {  	[sflag:s26] =	ssyncset.done $0x0  }
0x92: {  	[sflag:s26] =	ssyncadd.s32 $0xFFFFFFC0  }
0x93: {  	[spmem:s2] =	stream.indirect.scatter.add.f32 [tilespmem:s28], [sflag:$0x5], $0x80, s24, s22, $0xb8;
	[tilespmem:$0x1F180] =	vst v63  }
0x94: {  	_ =	swait.ge [sflag:s30], $0x2000  }
0x95: {  	[sflag:s30] =	ssyncset.done $0x0  }
0x96: {  	[sflag:s30] =	ssyncadd.s32 $0xFFFFE000  }
0x97: {  	_ =	swait.ge [sflag:s5], $0x2000  }
0x98: {  	[sflag:s5] =	ssyncset.done $0x0  }
0x99: {  	[sflag:s5] =	ssyncadd.s32 $0xFFFFE000  }
0x9a: {  	_ =	swait.ge [sflag:s6], $0x40  }
0x9b: {  	[sflag:s6] =	ssyncset.done $0x0  }
0x9c: {  	[sflag:s6] =	ssyncadd.s32 $0xFFFFFFC0  }
0x9d: {  	[spmem:s2] =	stream.indirect.scatter.add.f32 [tilespmem:s31], [sflag:$0x6], $0x80, s29, s22, $0xb8;
	[tilespmem:$0x1F180] =	vst v63  }
0x9e: {  	_ =	swait.ge [sflag:s9], $0x2000  }
0x9f: {  	[sflag:s9] =	ssyncset.done $0x0  }
0xa0: {  	[sflag:s9] =	ssyncadd.s32 $0xFFFFE000  }
0xa1: {  	s7 =	sadd.s32 @p0 $0x25080, s13;
	s8 =	simm.s32 @p0 $0x1FCA;
	[bflag:$0x0] =	sbarrier.arrive $0xFFFF  }
0xa2: {  	[hbm:s7], [sflag:s8] =	dma.local @p0 [spmem:s25], $0x2080  }
0xa3: {  	s7 =	simm.s32 @p0 $0xA  }
0xa4: {  	_ =	swait.ge @p0 [sflag:s7], $0x2080  }
0xa5: {  	[sflag:s7] =	ssyncset.done @p0 $0x0  }
0xa6: {  	[sflag:s7] =	ssyncadd.s32 @p0 $0xFFFFDF80;
	s7 =	stileid.u32  }
0xa7: {  	s8 =	rddreg [dreg:$0x3];
	s7 =	sshll.u32 @!p0 s7, $0x6  }
0xa8: {  	s11 =	sshrl.u32 @!p0 s18, $0x3;
	s8 =	sadd.s32 @!p0 s8, s13;
	s7 =	sor.u32 @!p0 $0x1C0A, s7  }
0xa9: {  	[hbm:s8], [sflag:s7] =	dma.local @!p0 [spmem:s11], $0x2780  }
0xaa: {  	s7 =	simm.s32 @!p0 $0xA  }
0xab: {  	_ =	swait.ge @!p0 [sflag:s7], $0x2780  }
0xac: {  	s10 =	sadd.s32 $0x1, s10;
	s14 =	rddreg [dreg:$0xa]  }
0xad: {  	p1 =	sne.s32 s10, s14  }
.Ltmp1:
0xae: {  	_ = 	snop;
	(pc) =	sbr.rel @p1 .LBB2_1-.Ltmp1, $3  }
0xaf: {  	_ =	sdelay $0x1  }
0xb0: {  	[sflag:s7] =	ssyncset.done @!p0 $0x0  }
0xb1: {  	[sflag:s7] =	ssyncadd.s32 @!p0 $0xFFFFD880  }
0xb2: {  	_ =	sfence.sel $0x180000  }
0xb3: {  	[bflag:$0x0] =	sbarrier.arrive $0xFFFF  }
0xb4: {  	_ =	strace $0x9000004A  }
0xb5: {  	s0 =	stileid.u32;
	[bflag:$0x2] =	sbarrier.arrive $0xFFFF  }
0xb6: {  	p0 =	sne.s32 s0, $0x0;
	s0 =	rddreg [dreg:$0x2]  }
0xb7: {  	s0 =	sadd.s32 @!p0 $0x100000, s0  }
0xb8: {  	[sflag:s0] =	ssyncadd.tile.s32 @!p0 $0x1;
	_ =	shalt  }
.Lfunc_end2:
_tile_overlayer_lowered:
.L_overlay_start_2:
0xb9: {  	(tag) =	ssettag $0x2  }
0xba: {  	s0 =	rddreg [dreg:$0x0];
	s2 =	stileid.u32  }
0xbb: {  	s1 =	rddreg [dreg:$0x1];
	p0 =	sne.s32 s2, $0x0  }
0xbc: {  	s3 =	rddreg [dreg:$0x2];
	[bflag:$0x3] =	sbarrier.arrive $0xFFFF;
	s2 =	simm.s32 @!p0 $0x1C0A  }
0xbd: {  	[timem:s3], [sflag:s2] =	dma.local @!p0 [hbm:s0], s1  }
0xbe: {  	s0 =	simm.s32 @!p0 $0xA  }
0xbf: {  	_ =	swait.ge @!p0 [sflag:s0], s1  }
0xc0: {  	s1 =	ssub.s32 @!p0 $0x0, s1;
	[sflag:s0] =	ssyncset.done @!p0 $0x0  }
0xc1: {  	[sflag:s0] =	ssyncadd.s32 @!p0 s1  }
0xc2: {  	[bflag:$0x3] =	sbarrier.arrive $0xFFFF  }
0xc3: {  	_ =	shalt  }

// kernel: kernel.9.cloned.1.call-start
scs
__scs_entry_jumppad:
0x0: {  	(pc) =	sbr.rel $0x88, $3  }
0x1: {  	(tag) =	ssettag $0x0;
	lr =	simm.s32 $0x1  }
0x2: {  	[smem:$0x3F95] =	sst lr;
	_ =	strace $0xD0000000  }
0x3: {  	_ = 	snop  }
0x4: {  	_ = 	snop  }
0x5: {  	_ = 	snop  }
0x6: {  	_ = 	snop  }
0x7: {  	_ = 	snop  }
__scs_overlays_trampoline_lowered:
0x8: {  	[smem:$0x3FA4] =	sst s0  }
0x9: {  	[smem:$0x3FA5] =	sst s1  }
0xa: {  	[smem:$0x3FA6] =	sst s2  }
0xb: {  	[smem:$0x3FA7] =	sst s3  }
0xc: {  	[smem:$0x3FA8] =	sst s4  }
0xd: {  	[smem:$0x3FA9] =	sst s5  }
0xe: {  	[smem:$0x3FAA] =	sst s6  }
0xf: {  	[smem:$0x3FAB] =	sst s7  }
0x10: {  	[smem:$0x3FAC] =	sst s8  }
0x11: {  	[smem:$0x3FAD] =	sst s9;
	s0 =	simm.s32 @!p0 $0x0  }
0x12: {  	s1 =	sld [smem:$0x3F93];
	s0 =	simm.s32 @p0 $0x1  }
0x13: {  	[smem:$0x3FAE] =	sst s0;
	s0 =	simm.s32 @!p1 $0x0  }
0x14: {  	s2 =	sld [smem:$0x3F92];
	s0 =	simm.s32 @p1 $0x1  }
0x15: {  	[smem:$0x3FAF] =	sst s0;
	s0 =	simm.s32 @!p2 $0x0  }
0x16: {  	s3 =	sld [smem:$0x3FDB];
	s0 =	simm.s32 @p2 $0x1  }
0x17: {  	s4 =	simm.s32 $0x1BF5;
	[smem:$0x3FB1] =	sst s0  }
0x18: {  	s0 =	sld [smem:$0x3F94];
	_ =	swait.ge [sflag:s4], $0x0  }
0x19: {  	s7 =	sld [smem:$0x3F95]  }
0x1a: {  	s8 =	sadd.s32 $0xFFFFE003, lr  }
0x1b: {  	s9 =	sadd.s32 $0xFFFFFEF7, lr;
	s5 =	simm.s32 $0xFFFFFFFF;
	p2 =	slt.u32 s8, $0xFFFFF086  }
0x1c: {  	p1 =	slt.u32 s9, $0xF7A;
	s5 =	simm.s32 @!p2 $0x0  }
0x1d: {  	s5 =	simm.s32 @p1 $0x1;
	p0 =	seq.s32 s7, s2  }
0x1e: {  	s7 =	smul.u32 @!p0 $0xF7A, s2;
	p2 =	seq.s32 @!p0 s5, $0x0  }
0x1f: {  	s9 =	smul.u32 $0xF7A, s1;
	s8 =	simm.s32 @!p0 $0x1BF5;
	p2 =	por !p2, p0  }
0x20: {  	[sflag:s8] =	ssyncset.s32 @!p0 $0xFFFFF086;
	s6 =	sadd.s32 @!p0 s3, s7;
	s7 =	simm.s32 @!p0 $0x108  }
0x21: {  	s3 =	sadd.s32 s3, s9;
	s6 =	sadd.s32 @!p0 $0x88, s6;
	s7 =	simm.s32 @p2 $0x1082  }
0x22: {  	[simem:s7], [sflag:s8] =	dma.local @!p0 [hbm:s6], $0xF7A  }
0x23: {  	s9 =	sor.u32 $0xD0000000, s2;
	s6 =	simm.s32 $0x108;
	_ =	swait.ge @!p0 [sflag:s8], $0x0  }
0x24: {  	s3 =	sadd.s32 $0x88, s3;
	s6 =	simm.s32 @!p1 $0x1082;
	[sflag:s4] =	ssyncset.s32 $0xFFFFF086  }
0x25: {  	[simem:s6], [sflag:s4] =	dma.local [hbm:s3], $0xF7A  }
0x26: {  	[smem:$0x3F95] =	sst s1;
	(tag) =	ssettag s2;
	_ =	strace s9  }
0x27: {  	s1 =	sld [smem:$0x3FA5]  }
0x28: {  	s2 =	sld [smem:$0x3FA6]  }
0x29: {  	s4 =	sld [smem:$0x3FA8]  }
0x2a: {  	p0 =	seq.s32 s5, $0x0;
	s5 =	sld [smem:$0x3FA9]  }
0x2b: {  	s6 =	sld [smem:$0x3FAA]  }
0x2c: {  	s7 =	sld [smem:$0x3FAB]  }
0x2d: {  	s3 =	simm.s32 $0x108;
	s8 =	sld [smem:$0x3FAC]  }
0x2e: {  	s3 =	simm.s32 @!p0 $0x1082;
	s9 =	sld [smem:$0x3FAD]  }
0x2f: {  	lr =	sadd.s32 s0, s3;
	s0 =	sld [smem:$0x3FA4]  }
0x30: {  	s3 =	sld [smem:$0x3FA7]  }
0x31: {  	[smem:$0x3FB0] =	sst s10  }
0x32: {  	s10 =	sld [smem:$0x3FAE];
	_ =	sdelay $0x3  }
0x33: {  	p0 =	seq.s32 s10, $0x1;
	s10 =	sld [smem:$0x3FB0];
	_ =	sdelay $0x3  }
0x34: {  	[smem:$0x3FB0] =	sst s10  }
0x35: {  	s10 =	sld [smem:$0x3FAF];
	_ =	sdelay $0x3  }
0x36: {  	p1 =	seq.s32 s10, $0x1;
	s10 =	sld [smem:$0x3FB0];
	_ =	sdelay $0x3  }
0x37: {  	[smem:$0x3FB0] =	sst s10  }
0x38: {  	s10 =	sld [smem:$0x3FB1]  }
0x39: {  	_ = 	snop;
	(pc) =	sbr.ind lr, $3  }
0x3a: {  	_ = 	snop  }
0x3b: {  	_ = 	snop  }
0x3c: {  	p2 =	seq.s32 s10, $0x1;
	s10 =	sld [smem:$0x3FB0]  }
0x3d: {  	_ =	shalt  }
0x3e: {  	_ =	shalt  }
0x3f: {  	_ =	shalt  }
0x40: {  	_ =	shalt  }
0x41: {  	_ =	shalt  }
0x42: {  	_ =	shalt  }
0x43: {  	_ =	shalt  }
0x44: {  	_ =	shalt  }
0x45: {  	_ =	shalt  }
0x46: {  	_ =	shalt  }
0x47: {  	_ =	shalt  }
0x48: {  	_ =	shalt  }
0x49: {  	_ =	shalt  }
0x4a: {  	_ =	shalt  }
0x4b: {  	_ =	shalt  }
0x4c: {  	_ =	shalt  }
0x4d: {  	_ =	shalt  }
0x4e: {  	_ =	shalt  }
0x4f: {  	_ =	shalt  }
0x50: {  	_ =	shalt  }
0x51: {  	_ =	shalt  }
0x52: {  	_ =	shalt  }
0x53: {  	_ =	shalt  }
0x54: {  	_ =	shalt  }
0x55: {  	_ =	shalt  }
0x56: {  	_ =	shalt  }
0x57: {  	_ =	shalt  }
0x58: {  	_ =	shalt  }
0x59: {  	_ =	shalt  }
0x5a: {  	_ =	shalt  }
0x5b: {  	_ =	shalt  }
0x5c: {  	_ =	shalt  }
0x5d: {  	_ =	shalt  }
0x5e: {  	_ =	shalt  }
0x5f: {  	_ =	shalt  }
0x60: {  	_ =	shalt  }
0x61: {  	_ =	shalt  }
0x62: {  	_ =	shalt  }
0x63: {  	_ =	shalt  }
0x64: {  	_ =	shalt  }
0x65: {  	_ =	shalt  }
0x66: {  	_ =	shalt  }
0x67: {  	_ =	shalt  }
0x68: {  	_ =	shalt  }
0x69: {  	_ =	shalt  }
0x6a: {  	_ =	shalt  }
0x6b: {  	_ =	shalt  }
0x6c: {  	_ =	shalt  }
0x6d: {  	_ =	shalt  }
0x6e: {  	_ =	shalt  }
0x6f: {  	_ =	shalt  }
0x70: {  	_ =	shalt  }
0x71: {  	_ =	shalt  }
0x72: {  	_ =	shalt  }
0x73: {  	_ =	shalt  }
0x74: {  	_ =	shalt  }
0x75: {  	_ =	shalt  }
0x76: {  	_ =	shalt  }
0x77: {  	_ =	shalt  }
0x78: {  	_ =	shalt  }
0x79: {  	_ =	shalt  }
0x7a: {  	_ =	shalt  }
0x7b: {  	_ =	shalt  }
0x7c: {  	_ =	shalt  }
0x7d: {  	_ =	shalt  }
0x7e: {  	_ =	shalt  }
0x7f: {  	_ =	shalt  }
0x80: {  	_ =	shalt  }
0x81: {  	_ =	shalt  }
0x82: {  	_ =	shalt  }
0x83: {  	_ =	shalt  }
0x84: {  	_ =	shalt  }
0x85: {  	_ =	shalt  }
0x86: {  	_ =	shalt  }
0x87: {  	_ =	shalt  }
.Lfunc_end0:
.L_simem_size_0:
called_computation_lowered:
.L_overlay_start_0:
0x88: {  	s2 =	sld [smem:$0x3FD9]  }
0x89: {  	s3 =	sld [smem:$0x3FFE];
	_ =	sdelay $0x1  }
0x8a: {  	s1 =	srdreg.scid  }
0x8b: {  	s0 =	sand.u32 $0x1, s1  }
0x8c: {  	s17 =	sshll.u32 s0, $0xA;
	s2 =	sadd.s32 s3, s2  }
0x8d: {  	s2 =	sadd.s32 s2, s17  }
0x8e: {  	[smem:$0x3FBC] =	sst s2  }
0x8f: {  	_ = 	snop  }
0x90: {  	s2 =	sld [smem:$0x3FD0];
	(tm) =	ssettm $0x1  }
0x91: {  	s18 =	sld [smem:$0x3FFB];
	_ =	sdelay $0x3  }
0x92: {  	_ =	strace s18  }
0x93: {  	s3 =	sld [smem:$0x3FFC];
	_ =	sdelay $0x3  }
0x94: {  	_ =	strace s3  }
0x95: {  	s3 =	sld [smem:$0x3FFD];
	_ =	sdelay $0x3  }
0x96: {  	_ =	strace s3  }
0x97: {  	_ =	strace $0x8FFFFFFF  }
0x98: {  	s19 =	sld [smem:$0x3FDB];
	_ =	sdelay $0x1  }
0x99: {  	s4 =	simm.s32 $_scs_section_size  }
0x9a: {  	s5 =	simm.s32 $_size__tile_overlayer_lowered;
	s6 =	simm.s32 $_tile_overlayer_lowered  }
0x9b: {  	s22 =	simm.s32 $0x1BFF;
	s21 =	sshll.u32 s6, $0x1;
	s3 =	sadd.s32 s4, s19  }
0x9c: {  	s7 =	simm.s32 $0x0;
	s20 =	sshll.u32 s5, $0x1;
	s5 =	sadd.s32 s21, s3  }
0x9d: {  	[timem:s7], [sflag:s22] =	dma.local [hbm:s5], s20  }
0x9e: {  	_ =	swait.ge [sflag:s22], s20  }
0x9f: {  	s4 =	ssub.s32 $0x0, s20;
	[sflag:s22] =	ssyncset.done $0x0  }
0xa0: {  	[sflag:s22] =	ssyncadd.s32 s4;
	_ =	sdelay $0x1  }
0xa1: {  	s23 =	simm.s32 $0x1B8B  }
0xa2: {  	_ =	swait.ge [sflag:s23], $0x1  }
0xa3: {  	[sflag:s23] =	ssyncset.done $0x0  }
0xa4: {  	s25 =	simm.s32 $0x1B8E;
	s24 =	sld [smem:$0x3FFE];
	[sflag:s23] =	ssyncadd.s32 $0xFFFFFFFF  }
0xa5: {  	s26 =	simm.s32 $execute0_lowered;
	[smem:$0x3FD2] =	sst s25  }
0xa6: {  	s5 =	sshll.u32 s26, $0x1;
	_ =	strace $0x80000046;
	[dreg:$0x1] =	wrdreg $0xFFFFFFFF  }
0xa7: {  	s28 =	simm.s32 $_size_execute0_lowered;
	s3 =	sadd.s32 s3, s5;
	[dreg:$0x0] =	wrdreg $0x0  }
0xa8: {  	s5 =	sshll.u32 s28, $0x1;
	[dreg:$0x2] =	wrdreg s3  }
0xa9: {  	[dreg:$0x3] =	wrdreg s5  }
0xaa: {  	[dreg:$0x4] =	wrdreg $0xC0  }
0xab: {  	_ =	task [dreg:s7], $0x5FFFF  }
0xac: {  	[dreg:$0x1] =	wrdreg $0xFFFFFFFF  }
0xad: {  	[dreg:$0x0] =	wrdreg $0x60  }
0xae: {  	[dreg:$0x2] =	wrdreg s2  }
0xaf: {  	[dreg:$0x3] =	wrdreg s24  }
0xb0: {  	[dreg:$0x4] =	wrdreg $0xB5800  }
0xb1: {  	[dreg:$0x5] =	wrdreg $0x1F2000  }
0xb2: {  	[dreg:$0x6] =	wrdreg $0x9  }
0xb3: {  	_ =	task.clear_ibuf [dreg:s7], $0x7FFFF;
	_ =	strace $0x90000046  }
0xb4: {  	s29 =	simm.s32 $0x9;
	_ =	strace $0x80000048  }
0xb5: {  	_ =	swait.ge [sflag:s29], $0x1  }
0xb6: {  	[sflag:s29] =	ssyncadd.s32 $0xFFFFFFFF  }
0xb7: {  	_ =	strace $0x90000048  }
0xb8: {  	_ =	sfence  }
0xb9: {  	s30 =	sld [smem:$0x0];
	_ =	sdelay $0x2  }
0xba: {  	s31 =	sshll.u32 s1, $0xD;
	s1 =	sshrl.u32 s1, $0x2  }
0xbb: {  	s3 =	sand.u32 $0x4000, s31;
	s1 =	sadd.s32 s1, s30  }
0xbc: {  	s0 =	sor.u32 s3, s0;
	s1 =	sshll.u32 s1, $0x11  }
0xbd: {  	s0 =	sor.u32 s1, s0  }
0xbe: {  	s0 =	sadd.s32 $0x8F2B, s0  }
0xbf: {  	[sflag:s0] =	ssyncadd.remote.s32 $0x1  }
0xc0: {  	_ =	sfence.sel $0xFFFF  }
0xc1: {  	[dreg:$0x0] =	wrdreg $0xFFFFFFFF;
	(pc) =	sbr.abs _section_cstart, $3  }
0xc2: {  	[dreg:$0x1] =	wrdreg $0xFFFFFFFF  }
0xc3: {  	_ =	task.clear_ibuf [dreg:s7], $0x2FFFF;
	_ =	strace $0x9FFFFFFF  }
0xc4: {  	(tm) =	ssettm $0x7FFFFFFF  }
0xc5: {  	_ =	shalt  }
tec
execute0_lowered:
.L_overlay_start_1:
0x0: {  	(tag) =	ssettag $0x1  }
0x1: {  	s0 =	rddreg [dreg:$0x0]  }
0x2: {  	s2 =	rddreg [dreg:$0x1]  }
0x3: {  	s1 =	srdreg.scid;
	s3 =	rddreg [dreg:$0x2]  }
0x4: {  	s17 =	stileid.u32;
	s4 =	rddreg [dreg:$0x3];
	s5 =	simm.s32 $0x0  }
0x5: {  	s29 =	simm.s32 $0x1;
	s30 =	simm.s32 $0x4;
	s11 =	smul.u32 $0x2780, s17  }
0x6: {  	s31 =	simm.s32 $0x5400;
	s1 =	sand.u32 $0x1, s1;
	s9 =	smul.u32 $0x280, s17  }
0x7: {  	[smem:$0x7FF] =	sst s5;
	s10 =	sadd.s32 $0x4800, s2;
	s16 =	smul.u32 $0x4F000, s17  }
0x8: {  	s12 =	sadd.s32 $0x24000, s2;
	s18 =	smul.u32 $0x2A00, s17;
	s20 =	sadd.s32 $0x2580, s4  }
0x9: {  	p0 =	seq.s32 s17, $0xF;
	s6 =	sshll.u32 s1, $0x4;
	_ =	strace $0x80000047  }
0xa: {  	[dreg:$0x7] =	wrdreg s12;
	s13 =	smul.u32 $0x27100, s1;
	s14 =	ssub.s32 $0x2, s1  }
0xb: {  	s1 =	smul.u32 $0x2A000, s1;
	[dreg:$0xe] =	wrdreg s20;
	s7 =	sor.u32 s17, s6  }
0xc: {  	[dreg:$0x6] =	wrdreg s11;
	s11 =	sadd.s32 s11, s2;
	s28 =	sshrl.u32 s9, $0x3  }
0xd: {  	s15 =	sshrl.u32 s14, $0x1;
	s6 =	sadd.s32 s6, s2;
	s9 =	sadd.s32 s9, s4  }
0xe: {  	s8 =	smul.u32 $0xA80, s7;
	s12 =	sadd.s32 s28, s2;
	s13 =	sadd.s32 s13, s2  }
0xf: {  	s14 =	ssub.s32 s14, s15;
	s15 =	sshrl.u32 s16, $0x2;
	s7 =	smul.u32 $0x2A00, s7  }
0x10: {  	s16 =	sshll.u32 s17, $0x6;
	s11 =	sadd.s32 $0x24800, s11;
	[dreg:$0xc] =	wrdreg s9  }
0x11: {  	s1 =	sadd.s32 s18, s1;
	s18 =	simm.s32 $0x6;
	s25 =	sadd.s32 s15, s3  }
0x12: {  	[dreg:$0xa] =	wrdreg s11;
	s19 =	sadd.s32 $0x24200, s12;
	s22 =	sor.u32 $0x140, s1  }
0x13: {  	s23 =	sadd.s32 $0x4C000, s13;
	s24 =	sor.u32 $0x100, s1;
	s1 =	sor.u32 $0xC0, s1  }
0x14: {  	s28 =	smax.u32 s14, $0x1;
	s11 =	simm.s32 $0x7;
	s12 =	simm.s32 $0x2  }
0x15: {  	s13 =	simm.s32 $0x8;
	s14 =	simm.s32 $0x5;
	[dreg:$0xd] =	wrdreg s19  }
0x16: {  	s8 =	sadd.s32 s8, s2;
	s7 =	sshrl.u32 s7, $0x3;
	[dreg:$0x13] =	wrdreg s23  }
0x17: {  	s2 =	sadd.s32 $0x246B0, s2;
	s26 =	sshrl.u32 s24, $0x3;
	[dreg:$0x15] =	wrdreg s28  }
0x18: {  	s1 =	sshrl.u32 s1, $0x3;
	s19 =	simm.s32 $0x0;
	[dreg:$0x9] =	wrdreg s25  }
0x19: {  	s8 =	sadd.s32 $0xF000, s8;
	s7 =	sadd.s32 s10, s7;
	[dreg:$0x10] =	wrdreg s2  }
0x1a: {  	s2 =	sshrl.u32 s22, $0x3;
	s22 =	sadd.s32 s1, s10;
	[dreg:$0x8] =	wrdreg s8  }
0x1b: {  	s1 =	sadd.s32 $0x128400, s3;
	s8 =	sor.u32 $0x1C04, s16;
	[dreg:$0xf] =	wrdreg s7  }
0x1c: {  	s21 =	sadd.s32 $0x8, s7;
	s7 =	sadd.s32 $0x10, s7;
	[dreg:$0xb] =	wrdreg s8  }
0x1d: {  	s2 =	sadd.s32 s2, s10;
	s1 =	sshrl.u32 @p0 s1, $0x3;
	[dreg:$0x11] =	wrdreg s21  }
0x1e: {  	s16 =	simm.s32 $0x3;
	[dreg:$0x12] =	wrdreg s7;
	s7 =	sadd.s32 $0x9A200, s6  }
0x1f: {  	[dreg:$0x5] =	wrdreg s2;
	s6 =	smul.u32 $0xA0, s17;
	s21 =	sadd.s32 s26, s10  }
0x20: {  	[dreg:$0x16] =	wrdreg s1;
	s26 =	simm.s32 $0x1F180;
	s2 =	simm.s32 $0x40  }
0x21: {  	s8 =	simm.s32 $0x5500;
	s10 =	simm.s32 $0x9580;
	s17 =	simm.s32 $0x9  }
0x22: {  	[dreg:$0x14] =	wrdreg s7;
	s1 =	sadd.s32 @!p0 s6, s7;
	s7 =	simm.s32 $0x5480  }
0x23: {  	s6 =	simm.s32 $0x7580;
	[dreg:$0x17] =	wrdreg s1;
	s1 =	simm.s32 $0x5580  }
.LBB2_1:
0x24: {  	[dreg:$0x1a] =	wrdreg s19  }
0x25: {  	s9 =	rddreg [dreg:$0x8]  }
0x26: {  	s15 =	rddreg [dreg:$0xa]  }
0x27: {  	s20 =	sshrl.u32 s25, $0x3;
	s23 =	rddreg [dreg:$0xb]  }
0x28: {  	[tilespmem:s5], [sflag:$0x1] =	stream.linear.gather [hbm4b:s9+s5], $0x5400, $0x38;
	[tilespmem:$0x1F478] =	vst v63  }
0x29: {  	[spmem:s20], [sflag:s23] =	dma.local [hbm:s15], $0x2780  }
0x2a: {  	s9 =	rddreg [dreg:$0xe]  }
0x2b: {  	s15 =	rddreg [dreg:$0x10];
	s20 =	sshrl.u32 @p0 s9, $0x3;
	s9 =	simm.s32 @p0 $0x1FCA  }
0x2c: {  	[spmem:s20], [sflag:s9] =	dma.local @p0 [hbm:s15], $0x40  }
0x2d: {  	s9 =	simm.s32 @p0 $0xA  }
0x2e: {  	s15 =	stileid.u32;
	_ =	swait.ge @p0 [sflag:s9], $0x40  }
0x2f: {  	s15 =	sshll.u32 @!p0 s15, $0x6;
	[sflag:s9] =	ssyncset.done @p0 $0x0  }
0x30: {  	s15 =	sor.u32 @!p0 $0x1C0A, s15;
	[sflag:s9] =	ssyncadd.s32 @p0 $0xFFFFFFC0;
	s9 =	rddreg [dreg:$0xc]  }
0x31: {  	[dreg:$0x18] =	wrdreg s15  }
0x32: {  	s19 =	sshrl.u32 @!p0 s9, $0x3;
	s9 =	rddreg [dreg:$0xd]  }
0x33: {  	[dreg:$0x19] =	wrdreg s19  }
0x34: {  	[spmem:s19], [sflag:s15] =	dma.local @!p0 [hbm:s9], $0x50  }
0x35: {  	s9 =	simm.s32 @!p0 $0xA  }
0x36: {  	_ =	swait.ge @!p0 [sflag:s9], $0x50  }
0x37: {  	[sflag:s9] =	ssyncset.done @!p0 $0x0  }
0x38: {  	s25 =	simm.s32 $0xA;
	s24 =	rddreg [dreg:$0x7];
	[sflag:s9] =	ssyncadd.s32 @!p0 $0xFFFFFFB0  }
0x39: {  	[tilespmem:s26], [sflag:$0xA] =	stream.linear.gather [hbm4b:s24+s5], $0x80, $0x38;
	[tilespmem:$0x1F478] =	vst v63  }
0x3a: {  	_ =	swait.ge [sflag:s25], $0x80  }
0x3b: {  	[sflag:s25] =	ssyncset.done $0x0  }
0x3c: {  	[sflag:s25] =	ssyncadd.s32 $0xFFFFFF80  }
0x3d: {  	_ =	swait.ge [sflag:s29], $0x5400  }
0x3e: {  	[sflag:s29] =	ssyncset.done $0x0  }
0x3f: {  	[sflag:s29] =	ssyncadd.s32 $0xFFFFAC00  }
0x40: {  	_ =	swait.ge [sflag:s30], $0x2780  }
0x41: {  	[sflag:s30] =	ssyncset.done $0x0  }
0x42: {  	[sflag:s30] =	ssyncadd.s32 $0xFFFFD880  }
0x43: {  	[bflag:$0x0] =	sbarrier.arrive $0xFFFF  }
0x44: {  	s15 =	rddreg [dreg:$0xf]  }
0x45: {  	[tilespmem:s31], [sflag:$0x7] =	stream.linear.gather [hbm4b:s15+s5], $0x40, $0x38;
	[tilespmem:$0x1F478] =	vst v63  }
0x46: {  	_ = 	snop  }
0x47: {  	[tilespmem:s1], [sflag:$0x1] =	stream.indirect.gather [hbm4b:s0+s2], $0x80, s5, s2, $0xb8;
	[tilespmem:$0x1F478] =	vst v63  }
0x48: {  	s19 =	rddreg [dreg:$0x11]  }
0x49: {  	[tilespmem:s7], [sflag:$0x8] =	stream.linear.gather [hbm4b:s19+s5], $0x40, $0x38;
	[tilespmem:$0x1F478] =	vst v63  }
0x4a: {  	s23 =	simm.s32 $0x80  }
0x4b: {  	[tilespmem:s6], [sflag:$0x2] =	stream.indirect.gather [hbm4b:s0+s2], $0x80, s23, s2, $0xb8;
	[tilespmem:$0x1F478] =	vst v63  }
0x4c: {  	s24 =	rddreg [dreg:$0x12]  }
0x4d: {  	[tilespmem:s8], [sflag:$0x9] =	stream.linear.gather [hbm4b:s24+s5], $0x40, $0x38;
	[tilespmem:$0x1F478] =	vst v63  }
0x4e: {  	s25 =	simm.s32 $0x100  }
0x4f: {  	[tilespmem:s10], [sflag:$0x3] =	stream.indirect.gather [hbm4b:s0+s2], $0x80, s25, s2, $0xb8;
	[tilespmem:$0x1F478] =	vst v63  }
0x50: {  	_ =	swait.ge [sflag:s29], $0x2000  }
0x51: {  	[sflag:s29] =	ssyncset.done $0x0  }
0x52: {  	[sflag:s29] =	ssyncadd.s32 $0xFFFFE000  }
0x53: {  	_ =	swait.ge [sflag:s11], $0x40  }
0x54: {  	[sflag:s11] =	ssyncset.done $0x0  }
0x55: {  	[sflag:s11] =	ssyncadd.s32 $0xFFFFFFC0  }
0x56: {  	[spmem:s3] =	stream.indirect.scatter.add.f32 [tilespmem:s1], [sflag:$0x4], $0x80, s31, s2, $0xb8;
	[tilespmem:$0x1F478] =	vst v63  }
0x57: {  	_ = 	snop  }
0x58: {  	[spmem:s4] =	stream.indirect.scatter.add.f32 [tilespmem:s26], [sflag:$0x4], $0x1, s31, s2, $0xb8;
	[tilespmem:$0x1F478] =	vst v63  }
0x59: {  	_ =	swait.ge [sflag:s30], $0x2000  }
0x5a: {  	[sflag:s30] =	ssyncset.done $0x0  }
0x5b: {  	[sflag:s30] =	ssyncadd.s32 $0xFFFFE000  }
0x5c: {  	_ =	swait.ge [sflag:s30], $0x40  }
0x5d: {  	[sflag:s30] =	ssyncset.done $0x0  }
0x5e: {  	s15 =	sadd.s32 $0x0, s22;
	[sflag:s30] =	ssyncadd.s32 $0xFFFFFFC0  }
0x5f: {  	[tilespmem:s31], [sflag:$0x7] =	stream.linear.gather [hbm4b:s15+s5], $0x40, $0x38;
	[tilespmem:$0x1F478] =	vst v63  }
0x60: {  	s19 =	simm.s32 $0x180  }
0x61: {  	[tilespmem:s1], [sflag:$0x1] =	stream.indirect.gather [hbm4b:s0+s2], $0x80, s19, s2, $0xb8;
	[tilespmem:$0x1F478] =	vst v63  }
0x62: {  	_ =	swait.ge [sflag:s12], $0x2000  }
0x63: {  	[sflag:s12] =	ssyncset.done $0x0  }
0x64: {  	[sflag:s12] =	ssyncadd.s32 $0xFFFFE000  }
0x65: {  	_ =	swait.ge [sflag:s13], $0x40  }
0x66: {  	[sflag:s13] =	ssyncset.done $0x0  }
0x67: {  	[sflag:s13] =	ssyncadd.s32 $0xFFFFFFC0  }
0x68: {  	[spmem:s3] =	stream.indirect.scatter.add.f32 [tilespmem:s6], [sflag:$0x5], $0x80, s7, s2, $0xb8;
	[tilespmem:$0x1F478] =	vst v63  }
0x69: {  	_ = 	snop  }
0x6a: {  	[spmem:s4] =	stream.indirect.scatter.add.f32 [tilespmem:s26], [sflag:$0x5], $0x1, s7, s2, $0xb8;
	[tilespmem:$0x1F478] =	vst v63  }
0x6b: {  	_ =	swait.ge [sflag:s14], $0x2000  }
0x6c: {  	[sflag:s14] =	ssyncset.done $0x0  }
0x6d: {  	[sflag:s14] =	ssyncadd.s32 $0xFFFFE000  }
0x6e: {  	_ =	swait.ge [sflag:s14], $0x40  }
0x6f: {  	[sflag:s14] =	ssyncset.done $0x0  }
0x70: {  	s23 =	sadd.s32 $0x0, s21;
	[sflag:s14] =	ssyncadd.s32 $0xFFFFFFC0  }
0x71: {  	[tilespmem:s7], [sflag:$0x8] =	stream.linear.gather [hbm4b:s23+s5], $0x40, $0x38;
	[tilespmem:$0x1F478] =	vst v63  }
0x72: {  	s24 =	simm.s32 $0x200  }
0x73: {  	[tilespmem:s6], [sflag:$0x2] =	stream.indirect.gather [hbm4b:s0+s2], $0x80, s24, s2, $0xb8;
	[tilespmem:$0x1F478] =	vst v63  }
0x74: {  	_ =	swait.ge [sflag:s16], $0x2000  }
0x75: {  	[sflag:s16] =	ssyncset.done $0x0  }
0x76: {  	[sflag:s16] =	ssyncadd.s32 $0xFFFFE000  }
0x77: {  	_ =	swait.ge [sflag:s17], $0x40  }
0x78: {  	[sflag:s17] =	ssyncset.done $0x0  }
0x79: {  	[sflag:s17] =	ssyncadd.s32 $0xFFFFFFC0  }
0x7a: {  	[spmem:s3] =	stream.indirect.scatter.add.f32 [tilespmem:s10], [sflag:$0x6], $0x80, s8, s2, $0xb8;
	[tilespmem:$0x1F478] =	vst v63  }
0x7b: {  	_ = 	snop  }
0x7c: {  	[spmem:s4] =	stream.indirect.scatter.add.f32 [tilespmem:s26], [sflag:$0x6], $0x1, s8, s2, $0xb8;
	[tilespmem:$0x1F478] =	vst v63  }
0x7d: {  	_ =	swait.ge [sflag:s18], $0x2000  }
0x7e: {  	[sflag:s18] =	ssyncset.done $0x0  }
0x7f: {  	[sflag:s18] =	ssyncadd.s32 $0xFFFFE000  }
0x80: {  	_ =	swait.ge [sflag:s18], $0x40  }
0x81: {  	s25 =	rddreg [dreg:$0x5];
	[sflag:s18] =	ssyncset.done $0x0  }
0x82: {  	[sflag:s18] =	ssyncadd.s32 $0xFFFFFFC0;
	s9 =	sadd.s32 $0x0, s25  }
0x83: {  	[tilespmem:s8], [sflag:$0x9] =	stream.linear.gather [hbm4b:s9+s5], $0x40, $0x38;
	[tilespmem:$0x1F478] =	vst v63  }
0x84: {  	s28 =	simm.s32 $0x18;
	s25 =	simm.s32 $0x280;
	s9 =	simm.s32 $0x400  }
.LBB2_2:
0x85: {  	[tilespmem:s10], [sflag:$0x3] =	stream.indirect.gather [hbm4b:s0+s2], $0x80, s25, s2, $0xb8;
	[tilespmem:$0x1F478] =	vst v63  }
0x86: {  	_ =	swait.ge [sflag:s29], $0x2000  }
0x87: {  	[sflag:s29] =	ssyncset.done $0x0  }
0x88: {  	[sflag:s29] =	ssyncadd.s32 $0xFFFFE000  }
0x89: {  	_ =	swait.ge [sflag:s11], $0x40  }
0x8a: {  	[sflag:s11] =	ssyncset.done $0x0  }
0x8b: {  	[sflag:s11] =	ssyncadd.s32 $0xFFFFFFC0  }
0x8c: {  	[spmem:s3] =	stream.indirect.scatter.add.f32 [tilespmem:s1], [sflag:$0x4], $0x80, s31, s2, $0xb8;
	[tilespmem:$0x1F478] =	vst v63  }
0x8d: {  	_ = 	snop  }
0x8e: {  	[spmem:s4] =	stream.indirect.scatter.add.f32 [tilespmem:s26], [sflag:$0x4], $0x1, s31, s2, $0xb8;
	[tilespmem:$0x1F478] =	vst v63  }
0x8f: {  	_ =	swait.ge [sflag:s30], $0x2000  }
0x90: {  	[sflag:s30] =	ssyncset.done $0x0  }
0x91: {  	[sflag:s30] =	ssyncadd.s32 $0xFFFFE000  }
0x92: {  	_ =	swait.ge [sflag:s30], $0x40  }
0x93: {  	s19 =	smov.u32 s28;
	[sflag:s30] =	ssyncset.done $0x0  }
0x94: {  	s15 =	sadd.s32 s19, s22;
	[sflag:s30] =	ssyncadd.s32 $0xFFFFFFC0  }
0x95: {  	[tilespmem:s31], [sflag:$0x7] =	stream.linear.gather [hbm4b:s15+s5], $0x40, $0x38;
	[tilespmem:$0x1F478] =	vst v63  }
0x96: {  	s23 =	sadd.s32 $0xFFFFFF00, s9  }
0x97: {  	[tilespmem:s1], [sflag:$0x1] =	stream.indirect.gather [hbm4b:s0+s2], $0x80, s23, s2, $0xb8;
	[tilespmem:$0x1F478] =	vst v63  }
0x98: {  	_ =	swait.ge [sflag:s12], $0x2000  }
0x99: {  	[sflag:s12] =	ssyncset.done $0x0  }
0x9a: {  	[sflag:s12] =	ssyncadd.s32 $0xFFFFE000  }
0x9b: {  	_ =	swait.ge [sflag:s13], $0x40  }
0x9c: {  	[sflag:s13] =	ssyncset.done $0x0  }
0x9d: {  	[sflag:s13] =	ssyncadd.s32 $0xFFFFFFC0  }
0x9e: {  	[spmem:s3] =	stream.indirect.scatter.add.f32 [tilespmem:s6], [sflag:$0x5], $0x80, s7, s2, $0xb8;
	[tilespmem:$0x1F478] =	vst v63  }
0x9f: {  	_ = 	snop  }
0xa0: {  	[spmem:s4] =	stream.indirect.scatter.add.f32 [tilespmem:s26], [sflag:$0x5], $0x1, s7, s2, $0xb8;
	[tilespmem:$0x1F478] =	vst v63  }
0xa1: {  	_ =	swait.ge [sflag:s14], $0x2000  }
0xa2: {  	[sflag:s14] =	ssyncset.done $0x0  }
0xa3: {  	[sflag:s14] =	ssyncadd.s32 $0xFFFFE000  }
0xa4: {  	_ =	swait.ge [sflag:s14], $0x40  }
0xa5: {  	[sflag:s14] =	ssyncset.done $0x0  }
0xa6: {  	s24 =	sadd.s32 s19, s21;
	[sflag:s14] =	ssyncadd.s32 $0xFFFFFFC0  }
0xa7: {  	[tilespmem:s7], [sflag:$0x8] =	stream.linear.gather [hbm4b:s24+s5], $0x40, $0x38;
	[tilespmem:$0x1F478] =	vst v63  }
0xa8: {  	s23 =	sadd.s32 $0xFFFFFF80, s9  }
0xa9: {  	[tilespmem:s6], [sflag:$0x2] =	stream.indirect.gather [hbm4b:s0+s2], $0x80, s23, s2, $0xb8;
	[tilespmem:$0x1F478] =	vst v63  }
0xaa: {  	_ =	swait.ge [sflag:s16], $0x2000  }
0xab: {  	[sflag:s16] =	ssyncset.done $0x0  }
0xac: {  	[sflag:s16] =	ssyncadd.s32 $0xFFFFE000  }
0xad: {  	_ =	swait.ge [sflag:s17], $0x40  }
0xae: {  	[sflag:s17] =	ssyncset.done $0x0  }
0xaf: {  	[sflag:s17] =	ssyncadd.s32 $0xFFFFFFC0  }
0xb0: {  	[spmem:s3] =	stream.indirect.scatter.add.f32 [tilespmem:s10], [sflag:$0x6], $0x80, s8, s2, $0xb8;
	[tilespmem:$0x1F478] =	vst v63  }
0xb1: {  	_ = 	snop  }
0xb2: {  	[spmem:s4] =	stream.indirect.scatter.add.f32 [tilespmem:s26], [sflag:$0x6], $0x1, s8, s2, $0xb8;
	[tilespmem:$0x1F478] =	vst v63  }
0xb3: {  	_ =	swait.ge [sflag:s18], $0x2000  }
0xb4: {  	p1 =	sne.s32 s28, $0x510;
	[sflag:s18] =	ssyncset.done $0x0  }
.Ltmp0:
0xb5: {  	[sflag:s18] =	ssyncadd.s32 $0xFFFFE000;
	(pc) =	sbr.rel @p1 .LBB2_2-.Ltmp0, $4  }
0xb6: {  	s25 =	smov.u32 s9;
	_ =	swait.ge [sflag:s18], $0x40  }
0xb7: {  	s28 =	sadd.s32 $0x18, s28;
	s24 =	rddreg [dreg:$0x5];
	[sflag:s18] =	ssyncset.done $0x0  }
0xb8: {  	s9 =	sadd.s32 $0x180, s9;
	[sflag:s18] =	ssyncadd.s32 $0xFFFFFFC0;
	s15 =	sadd.s32 s19, s24  }
0xb9: {  	[tilespmem:s8], [sflag:$0x9] =	stream.linear.gather [hbm4b:s15+s5], $0x40, $0x38;
	[tilespmem:$0x1F478] =	vst v63  }
0xba: {  	[tilespmem:s10], [sflag:$0x3] =	stream.indirect.gather [hbm4b:s0+s2], $0x80, s25, s2, $0xb8;
	[tilespmem:$0x1F478] =	vst v63  }
0xbb: {  	_ =	swait.ge [sflag:s29], $0x2000  }
0xbc: {  	[sflag:s29] =	ssyncset.done $0x0  }
0xbd: {  	[sflag:s29] =	ssyncadd.s32 $0xFFFFE000  }
0xbe: {  	_ =	swait.ge [sflag:s11], $0x40  }
0xbf: {  	[sflag:s11] =	ssyncset.done $0x0  }
0xc0: {  	[sflag:s11] =	ssyncadd.s32 $0xFFFFFFC0  }
0xc1: {  	[spmem:s3] =	stream.indirect.scatter.add.f32 [tilespmem:s1], [sflag:$0x4], $0x80, s31, s2, $0xb8;
	[tilespmem:$0x1F478] =	vst v63  }
0xc2: {  	_ = 	snop  }
0xc3: {  	[spmem:s4] =	stream.indirect.scatter.add.f32 [tilespmem:s26], [sflag:$0x4], $0x1, s31, s2, $0xb8;
	[tilespmem:$0x1F478] =	vst v63  }
0xc4: {  	_ =	swait.ge [sflag:s30], $0x2000  }
0xc5: {  	[sflag:s30] =	ssyncset.done $0x0  }
0xc6: {  	[sflag:s30] =	ssyncadd.s32 $0xFFFFE000  }
0xc7: {  	_ =	swait.ge [sflag:s30], $0x40  }
0xc8: {  	[sflag:s30] =	ssyncset.done $0x0  }
0xc9: {  	[sflag:s30] =	ssyncadd.s32 $0xFFFFFFC0  }
0xca: {  	_ =	swait.ge [sflag:s12], $0x2000  }
0xcb: {  	[sflag:s12] =	ssyncset.done $0x0  }
0xcc: {  	[sflag:s12] =	ssyncadd.s32 $0xFFFFE000  }
0xcd: {  	_ =	swait.ge [sflag:s13], $0x40  }
0xce: {  	[sflag:s13] =	ssyncset.done $0x0  }
0xcf: {  	[sflag:s13] =	ssyncadd.s32 $0xFFFFFFC0  }
0xd0: {  	[spmem:s3] =	stream.indirect.scatter.add.f32 [tilespmem:s6], [sflag:$0x5], $0x80, s7, s2, $0xb8;
	[tilespmem:$0x1F478] =	vst v63  }
0xd1: {  	_ = 	snop  }
0xd2: {  	[spmem:s4] =	stream.indirect.scatter.add.f32 [tilespmem:s26], [sflag:$0x5], $0x1, s7, s2, $0xb8;
	[tilespmem:$0x1F478] =	vst v63  }
0xd3: {  	_ =	swait.ge [sflag:s14], $0x2000  }
0xd4: {  	[sflag:s14] =	ssyncset.done $0x0  }
0xd5: {  	[sflag:s14] =	ssyncadd.s32 $0xFFFFE000  }
0xd6: {  	_ =	swait.ge [sflag:s14], $0x40  }
0xd7: {  	[sflag:s14] =	ssyncset.done $0x0  }
0xd8: {  	[sflag:s14] =	ssyncadd.s32 $0xFFFFFFC0  }
0xd9: {  	_ =	swait.ge [sflag:s16], $0x2000  }
0xda: {  	[sflag:s16] =	ssyncset.done $0x0  }
0xdb: {  	[sflag:s16] =	ssyncadd.s32 $0xFFFFE000  }
0xdc: {  	_ =	swait.ge [sflag:s17], $0x40  }
0xdd: {  	[sflag:s17] =	ssyncset.done $0x0  }
0xde: {  	[sflag:s17] =	ssyncadd.s32 $0xFFFFFFC0  }
0xdf: {  	[spmem:s3] =	stream.indirect.scatter.add.f32 [tilespmem:s10], [sflag:$0x6], $0x80, s8, s2, $0xb8;
	[tilespmem:$0x1F478] =	vst v63  }
0xe0: {  	_ = 	snop  }
0xe1: {  	[spmem:s4] =	stream.indirect.scatter.add.f32 [tilespmem:s26], [sflag:$0x6], $0x1, s8, s2, $0xb8;
	[tilespmem:$0x1F478] =	vst v63  }
0xe2: {  	_ =	swait.ge [sflag:s18], $0x2000  }
0xe3: {  	[sflag:s18] =	ssyncset.done $0x0  }
0xe4: {  	[sflag:s18] =	ssyncadd.s32 $0xFFFFE000  }
0xe5: {  	_ =	swait.ge [sflag:s18], $0x40  }
0xe6: {  	[sflag:s18] =	ssyncset.done $0x0  }
0xe7: {  	[sflag:s18] =	ssyncadd.s32 $0xFFFFFFC0  }
0xe8: {  	[bflag:$0x0] =	sbarrier.arrive $0xFFFF  }
0xe9: {  	s23 =	rddreg [dreg:$0x13]  }
0xea: {  	s15 =	simm.s32 @p0 $0x1FCA;
	s19 =	rddreg [dreg:$0x16];
	s9 =	sadd.s32 @p0 $0x25080, s23  }
0xeb: {  	[hbm:s9], [sflag:s15] =	dma.local @p0 [spmem:s19], $0x2080  }
0xec: {  	s9 =	simm.s32 @p0 $0xA  }
0xed: {  	s25 =	simm.s32 @p0 $0x1;
	_ =	swait.ge @p0 [sflag:s9], $0x2080  }
0xee: {  	s28 =	simm.s32 @p0 $0x20;
	[sflag:s9] =	ssyncset.done @p0 $0x0;
	s19 =	rddreg [dreg:$0x14]  }
0xef: {  	s24 =	simm.s32 @p0 $0x10;
	[sflag:s9] =	ssyncadd.s32 @p0 $0xFFFFDF80;
	s19 =	sadd.s32 @p0 $0x960, s19  }
0xf0: {  	[hbm:s19@s28], [sflag:s15] =	dma.strided @p0 [spmem:s20@s24], $0x40, s25, $0x10   }
0xf1: {  	_ =	swait.ge @p0 [sflag:s9], $0x40  }
0xf2: {  	[sflag:s9] =	ssyncset.done @p0 $0x0;
	s25 =	rddreg [dreg:$0x9]  }
0xf3: {  	[sflag:s9] =	ssyncadd.s32 @p0 $0xFFFFFFC0;
	s9 =	rddreg [dreg:$0x6]  }
0xf4: {  	s28 =	rddreg [dreg:$0x18];
	s15 =	sshrl.u32 @!p0 s25, $0x3;
	s9 =	sadd.s32 @!p0 s9, s23  }
0xf5: {  	[hbm:s9], [sflag:s28] =	dma.local @!p0 [spmem:s15], $0x2780  }
0xf6: {  	s9 =	simm.s32 @!p0 $0xA  }
0xf7: {  	s19 =	simm.s32 @!p0 $0x20;
	_ =	swait.ge @!p0 [sflag:s9], $0x2780  }
0xf8: {  	s24 =	simm.s32 @!p0 $0x10;
	[sflag:s9] =	ssyncset.done @!p0 $0x0;
	s23 =	rddreg [dreg:$0x17]  }
0xf9: {  	s15 =	simm.s32 @!p0 $0x1;
	s20 =	rddreg [dreg:$0x19];
	[sflag:s9] =	ssyncadd.s32 @!p0 $0xFFFFD880  }
0xfa: {  	[hbm:s23@s19], [sflag:s28] =	dma.strided @!p0 [spmem:s20@s24], $0x50, s15, $0x10   }
0xfb: {  	_ =	swait.ge @!p0 [sflag:s9], $0x50  }
0xfc: {  	s24 =	rddreg [dreg:$0x1a]  }
0xfd: {  	s28 =	rddreg [dreg:$0x15];
	s19 =	sadd.s32 $0x1, s24  }
0xfe: {  	p1 =	sne.s32 s19, s28  }
.Ltmp1:
0xff: {  	_ = 	snop;
	(pc) =	sbr.rel @p1 .LBB2_1-.Ltmp1, $3  }
0x100: {  	_ =	sdelay $0x1  }
0x101: {  	[sflag:s9] =	ssyncset.done @!p0 $0x0  }
0x102: {  	[sflag:s9] =	ssyncadd.s32 @!p0 $0xFFFFFFB0  }
0x103: {  	_ =	sfence.sel $0x180000  }
0x104: {  	[bflag:$0x0] =	sbarrier.arrive $0xFFFF  }
0x105: {  	_ =	strace $0x90000047  }
0x106: {  	s0 =	stileid.u32;
	[bflag:$0x2] =	sbarrier.arrive $0xFFFF  }
0x107: {  	p0 =	sne.s32 s0, $0x0;
	s0 =	rddreg [dreg:$0x4]  }
0x108: {  	s0 =	sadd.s32 @!p0 $0x100000, s0  }
0x109: {  	[sflag:s0] =	ssyncadd.tile.s32 @!p0 $0x1;
	_ =	shalt  }
.Lfunc_end2:
_tile_overlayer_lowered:
.L_overlay_start_2:
0x10a: {  	(tag) =	ssettag $0x2  }
0x10b: {  	s0 =	rddreg [dreg:$0x0];
	s2 =	stileid.u32  }
0x10c: {  	s1 =	rddreg [dreg:$0x1];
	p0 =	sne.s32 s2, $0x0  }
0x10d: {  	s3 =	rddreg [dreg:$0x2];
	[bflag:$0x3] =	sbarrier.arrive $0xFFFF;
	s2 =	simm.s32 @!p0 $0x1C0A  }
0x10e: {  	[timem:s3], [sflag:s2] =	dma.local @!p0 [hbm:s0], s1  }
0x10f: {  	s0 =	simm.s32 @!p0 $0xA  }
0x110: {  	_ =	swait.ge @!p0 [sflag:s0], s1  }
0x111: {  	s1 =	ssub.s32 @!p0 $0x0, s1;
	[sflag:s0] =	ssyncset.done @!p0 $0x0  }
0x112: {  	[sflag:s0] =	ssyncadd.s32 @!p0 s1  }
0x113: {  	[bflag:$0x3] =	sbarrier.arrive $0xFFFF  }
0x114: {  	_ =	shalt  }

</sc_bundles>
